<compile_context>
chip_gen: v7x
topology: tpu7x:2x2x1
jax: 0.10.2.dev20260603
libtpu: 0.0.44.dev20260713+nightly
codegen_flags: <defaults>
</compile_context>

<pallas_src>
import functools

import jax
import jax.numpy as jnp
from jax import lax
from jax.experimental import pallas as pl
from jax.experimental.pallas import tpu as pltpu
from jax.experimental.pallas import tpu_sc as plsc

_V = 1000
_VPAD = 1024
_N = 1024 * 50
_NC = 2
_NS = 16
_NW = _NC * _NS
_PER_W = _N // _NW
_CH = 32
_NCHUNK = _PER_W // _CH


def _lse_body(table_ref, lse_ref):
    t = table_ref[...]
    m = jnp.max(t, axis=1)
    s = jnp.sum(jnp.exp(t - m[:, None]), axis=1)
    lse = m + jnp.log(s)
    lse_ref[...] = jnp.concatenate(
        [lse, jnp.zeros((_VPAD - _V,), jnp.float32)])


_lse_call = pl.pallas_call(
    _lse_body,
    out_shape=jax.ShapeDtypeStruct((_VPAD,), jnp.float32),
)

_mesh = plsc.VectorSubcoreMesh(
    core_axis_name="c", subcore_axis_name="s",
    num_cores=_NC, num_subcores=_NS)


@functools.partial(
    pl.kernel,
    mesh=_mesh,
    compiler_params=pltpu.CompilerParams(
        needs_layout_passes=False, use_tc_tiling_on_sc=True),
    out_type=[
        jax.ShapeDtypeStruct((_N, _VPAD), jnp.float32),
        jax.ShapeDtypeStruct((_NW, 16), jnp.float32),
    ],
    scratch_types=[
        pltpu.VMEM((_PER_W,), jnp.int32),
        pltpu.VMEM((_PER_W,), jnp.int32),
        pltpu.VMEM((_PER_W,), jnp.int32),
        pltpu.VMEM((_PER_W,), jnp.float32),
        pltpu.VMEM((_CH, _VPAD), jnp.float32),
        pltpu.VMEM((_CH, _VPAD), jnp.float32),
        pltpu.VMEM((_VPAD,), jnp.float32),
        pltpu.VMEM((16,), jnp.float32),
        pltpu.SemaphoreType.DMA,
        pltpu.SemaphoreType.DMA,
        pltpu.SemaphoreType.DMA,
    ],
)
def _sc_main(table_hbm, tflat_hbm, idx_hbm, tgt_hbm, lse_hbm,
             out_hbm, part_hbm,
             idx_a, tgt_a, fidx_a, pick_a, rows0, rows1, lse_v, acc_v,
             sem0, sem1, semp):
    wid = lax.axis_index("s") * _NC + lax.axis_index("c")
    base0 = wid * _PER_W
    pltpu.sync_copy(idx_hbm.at[pl.ds(base0, _PER_W)], idx_a)
    pltpu.sync_copy(tgt_hbm.at[pl.ds(base0, _PER_W)], tgt_a)
    pltpu.sync_copy(lse_hbm, lse_v)

    def build_fidx(k, carry):
        ii = idx_a[pl.ds(k * 16, 16)]
        tt = tgt_a[pl.ds(k * 16, 16)]
        fidx_a[pl.ds(k * 16, 16)] = ii * _VPAD + tt
        return carry

    lax.fori_loop(0, _PER_W // 16, build_fidx, 0)
    pick_dma = pltpu.async_copy(tflat_hbm.at[fidx_a], pick_a, semp)

    rows = (rows0, rows1)
    sems = (sem0, sem1)

    pltpu.async_copy(table_hbm.at[idx_a.at[pl.ds(0, _CH)]], rows0, sem0)

    def pair(j, carry):
        for p in range(2):
            c = j * 2 + p
            nxt = 1 - p

            @pl.when(c + 1 < _NCHUNK)
            def _issue_next():
                pltpu.async_copy(
                    table_hbm.at[idx_a.at[pl.ds((c + 1) * _CH, _CH)]],
                    rows[nxt], sems[nxt])

            pltpu.make_async_copy(
                table_hbm.at[pl.ds(0, _CH)], rows[p], sems[p]).wait()
            pltpu.sync_copy(rows[p],
                            out_hbm.at[pl.ds(base0 + c * _CH, _CH)])
        return carry

    lax.fori_loop(0, _NCHUNK // 2, pair, 0)

    pick_dma.wait()

    def accum(k, acc):
        ii = idx_a[pl.ds(k * 16, 16)]
        lse_vals = plsc.load_gather(lse_v, [ii])
        return acc + lse_vals - pick_a[pl.ds(k * 16, 16)]

    acc = lax.fori_loop(0, _PER_W // 16, accum,
                        jnp.zeros((16,), jnp.float32))
    acc_v[...] = acc
    pltpu.sync_copy(acc_v, part_hbm.at[wid])


def kernel(idx, targets, token_embedding_table):
    idx_f = idx.reshape(-1)
    tgt_f = targets.reshape(-1)
    table_pad = jnp.pad(token_embedding_table, ((0, 0), (0, _VPAD - _V)))
    table_flat = table_pad.reshape(-1)
    lse = _lse_call(token_embedding_table)
    out_pad, parts = _sc_main(table_pad, table_flat, idx_f, tgt_f, lse)
    flat_logits = out_pad[:, :_V]
    loss = jnp.sum(parts) / jnp.float32(_N)
    return (flat_logits, loss)

# --- scband reference (transcript-rebuilt; emitter-appended) ---
"""Pipeline reference for scband-bigram-language-model-44178033606977 (READ-ONLY COPY).

The authoritative reference and input builder live on the scoring server;
editing this copy changes nothing except your own understanding.
"""

import jax, jax.numpy as jnp
import numpy as np

VOCAB = 1000
B = 1024
T = 50

def setup_inputs(seed: int = 0) -> dict:
    key = jax.random.key(seed)
    k1, k2, k3 = jax.random.split(key, 3)
    idx = jax.random.randint(k1, (B, T), 0, VOCAB, dtype=jnp.int32)
    targets = jax.random.randint(k2, (B, T), 0, VOCAB, dtype=jnp.int32)
    # nn.Embedding weight ~ N(0, 1)
    token_embedding_table = jax.random.normal(k3, (VOCAB, VOCAB), dtype=jnp.float32)
    return {"idx": idx, "targets": targets, "token_embedding_table": token_embedding_table}

def reference(idx, targets, token_embedding_table):
    # logits = self.token_embedding_table(idx)
    logits = jnp.take(token_embedding_table, idx, axis=0)  # [B, T, C]
    Bb, Tt, C = logits.shape
    flat_logits = logits.reshape(Bb * Tt, C)
    flat_targets = targets.reshape(Bb * Tt)
    # F.cross_entropy(flat_logits, flat_targets) with mean reduction
    logp = jax.nn.log_softmax(flat_logits, axis=-1)
    nll = -jnp.take_along_axis(logp, flat_targets[:, None], axis=1)[:, 0]
    loss = jnp.mean(nll)
    # PyTorch forward reassigns logits to the flattened view before returning
    return (flat_logits, loss)

if __name__ == "__main__":
    import jax
    _d = setup_inputs()
    print(jax.jit(kernel)(*tuple(_d.values())))

</pallas_src>

<mosaic_0001>
#map = affine_map<(d0, d1) -> (0, 0)>
#map1 = affine_map<(d0, d1) -> (0)>
module attributes {stable_mosaic.version = 14 : i64} {
  func.func @_sc_main(%arg0: i32, %arg1: i32, %arg2: memref<1000x1024xf32, #tpu.memory_space<hbm>>, %arg3: memref<1024000xf32, #tpu.memory_space<hbm>>, %arg4: memref<51200xi32, #tpu.memory_space<hbm>>, %arg5: memref<51200xi32, #tpu.memory_space<hbm>>, %arg6: memref<1024xf32, #tpu.memory_space<hbm>>, %arg7: memref<51200x1024xf32, #tpu.memory_space<hbm>>, %arg8: memref<32x16xf32, #tpu.memory_space<hbm>>, %arg9: memref<1600xi32, #tpu.memory_space<vmem>>, %arg10: memref<1600xi32, #tpu.memory_space<vmem>>, %arg11: memref<1600xi32, #tpu.memory_space<vmem>>, %arg12: memref<1600xf32, #tpu.memory_space<vmem>>, %arg13: memref<32x1024xf32, #tpu.memory_space<vmem>>, %arg14: memref<32x1024xf32, #tpu.memory_space<vmem>>, %arg15: memref<1024xf32, #tpu.memory_space<vmem>>, %arg16: memref<16xf32, #tpu.memory_space<vmem>>, %arg17: memref<!tpu.dma_semaphore, #tpu.memory_space<semaphore_mem>>, %arg18: memref<!tpu.dma_semaphore, #tpu.memory_space<semaphore_mem>>, %arg19: memref<!tpu.dma_semaphore, #tpu.memory_space<semaphore_mem>>) attributes {dimension_semantics = [#tpu.dimension_semantics<core_parallel>, #tpu.dimension_semantics<subcore_parallel>], iteration_bounds = array<i64: 2, 16>, scalar_prefetch = 0 : i64, scratch_operands = 11 : i64, tpu.core_type = #tpu.core_type<sc_vector_subcore>, window_params = [{transform_indices = #map}, {transform_indices = #map1}, {transform_indices = #map1}, {transform_indices = #map1}, {transform_indices = #map1}, {transform_indices = #map}, {transform_indices = #map}]} {
    %mul3A = arith.constant 2 : i32
    %mul3A_0 = arith.muli %arg1, %mul3A : i32
    %add3A = arith.addi %mul3A_0, %arg0 : i32
    %mul3A_1 = arith.constant 1600 : i32
    %mul3A_2 = arith.muli %add3A, %mul3A_1 : i32
    "tpu.region"() ({
      %run_scoped3A = tpu.sem_alloc : memref<!tpu.dma_semaphore, #tpu.memory_space<semaphore_mem>>
      %dma_start3A_29 = tpu.memref_slice %arg4[%mul3A_2] : memref<51200xi32, #tpu.memory_space<hbm>> -> memref<1600xi32, #tpu.memory_space<hbm>>
      %dma_start3A_30 = tpu.memref_slice %arg4[%mul3A_2] : memref<51200xi32, #tpu.memory_space<hbm>> -> memref<1600xi32, #tpu.memory_space<hbm>>
      tpu.enqueue_dma source(%dma_start3A_30 : memref<1600xi32, #tpu.memory_space<hbm>>) target(%arg9 : memref<1600xi32, #tpu.memory_space<vmem>>) target_semaphore(%run_scoped3A : memref<!tpu.dma_semaphore, #tpu.memory_space<semaphore_mem>>)
      %dma_wait3A_31 = tpu.memref_slice %arg4[%mul3A_2] : memref<51200xi32, #tpu.memory_space<hbm>> -> memref<1600xi32, #tpu.memory_space<hbm>>
      %dma_wait3A_32 = tpu.memref_slice %arg4[%mul3A_2] : memref<51200xi32, #tpu.memory_space<hbm>> -> memref<1600xi32, #tpu.memory_space<hbm>>
      tpu.wait_dma2 semaphore(%run_scoped3A : memref<!tpu.dma_semaphore, #tpu.memory_space<semaphore_mem>>) src(%dma_wait3A_32 : memref<1600xi32, #tpu.memory_space<hbm>>) dst(%arg9 : memref<1600xi32, #tpu.memory_space<vmem>>)
      tpu.yield
    }) : () -> ()
    "tpu.region"() ({
      %run_scoped3A = tpu.sem_alloc : memref<!tpu.dma_semaphore, #tpu.memory_space<semaphore_mem>>
      %dma_start3A_29 = tpu.memref_slice %arg5[%mul3A_2] : memref<51200xi32, #tpu.memory_space<hbm>> -> memref<1600xi32, #tpu.memory_space<hbm>>
      %dma_start3A_30 = tpu.memref_slice %arg5[%mul3A_2] : memref<51200xi32, #tpu.memory_space<hbm>> -> memref<1600xi32, #tpu.memory_space<hbm>>
      tpu.enqueue_dma source(%dma_start3A_30 : memref<1600xi32, #tpu.memory_space<hbm>>) target(%arg10 : memref<1600xi32, #tpu.memory_space<vmem>>) target_semaphore(%run_scoped3A : memref<!tpu.dma_semaphore, #tpu.memory_space<semaphore_mem>>)
      %dma_wait3A_31 = tpu.memref_slice %arg5[%mul3A_2] : memref<51200xi32, #tpu.memory_space<hbm>> -> memref<1600xi32, #tpu.memory_space<hbm>>
      %dma_wait3A_32 = tpu.memref_slice %arg5[%mul3A_2] : memref<51200xi32, #tpu.memory_space<hbm>> -> memref<1600xi32, #tpu.memory_space<hbm>>
      tpu.wait_dma2 semaphore(%run_scoped3A : memref<!tpu.dma_semaphore, #tpu.memory_space<semaphore_mem>>) src(%dma_wait3A_32 : memref<1600xi32, #tpu.memory_space<hbm>>) dst(%arg10 : memref<1600xi32, #tpu.memory_space<vmem>>)
      tpu.yield
    }) : () -> ()
    "tpu.region"() ({
      %run_scoped3A = tpu.sem_alloc : memref<!tpu.dma_semaphore, #tpu.memory_space<semaphore_mem>>
      tpu.enqueue_dma source(%arg6 : memref<1024xf32, #tpu.memory_space<hbm>>) target(%arg15 : memref<1024xf32, #tpu.memory_space<vmem>>) target_semaphore(%run_scoped3A : memref<!tpu.dma_semaphore, #tpu.memory_space<semaphore_mem>>)
      tpu.wait_dma2 semaphore(%run_scoped3A : memref<!tpu.dma_semaphore, #tpu.memory_space<semaphore_mem>>) src(%arg6 : memref<1024xf32, #tpu.memory_space<hbm>>) dst(%arg15 : memref<1024xf32, #tpu.memory_space<vmem>>)
      tpu.yield
    }) : () -> ()
    %scan3A = arith.constant 0 : i32
    %scan3A_3 = arith.constant 0 : i32
    %scan3A_4 = arith.constant 100 : i32
    %scan3A_5 = arith.addi %scan3A_3, %scan3A_4 : i32
    %scan3A_6 = arith.constant 1 : i32
    scf.for %scan3A_29 = %scan3A_3 to %scan3A_5 step %scan3A_6  : i32 {
      %mul3A_30 = arith.constant 16 : i32
      %mul3A_31 = arith.muli %scan3A_29, %mul3A_30 : i32
      %get3A = arith.index_cast %mul3A_31 : i32 to index
      %get3A_32 = tpu.vector_load %arg9[%get3A] {strides = array<i32>} : memref<1600xi32, #tpu.memory_space<vmem>>, vector<16xi32>,
      %mul3A_33 = arith.constant 16 : i32
      %mul3A_34 = arith.muli %scan3A_29, %mul3A_33 : i32
      %get3A_35 = arith.index_cast %mul3A_34 : i32 to index
      %get3A_36 = tpu.vector_load %arg10[%get3A_35] {strides = array<i32>} : memref<1600xi32, #tpu.memory_space<vmem>>, vector<16xi32>,
      %mul3A_37 = arith.constant 1024 : i32
      %mul3A_38 = vector.broadcast %mul3A_37 : i32 to vector<16xi32>
      %mul3A_39 = arith.muli %get3A_32, %mul3A_38 : vector<16xi32>
      %add3A_40 = arith.addi %mul3A_39, %get3A_36 : vector<16xi32>
      %mul3A_41 = arith.constant 16 : i32
      %mul3A_42 = arith.muli %scan3A_29, %mul3A_41 : i32
      %swap3A_43 = arith.index_cast %mul3A_42 : i32 to index
      %swap3A_44 = tpu.vector_load %arg11[%swap3A_43] {strides = array<i32>} : memref<1600xi32, #tpu.memory_space<vmem>>, vector<16xi32>,
      tpu.vector_store %arg11[%swap3A_43], %add3A_40 {strides = array<i32>} : memref<1600xi32, #tpu.memory_space<vmem>>, vector<16xi32>,
    }
    %scan3A_7 = arith.constant 100 : i32
    %dma_start3A = arith.constant 0 : i32
    %dma_start3A_8 = tpu.memref_slice %arg3[%dma_start3A] : memref<1024000xf32, #tpu.memory_space<hbm>> -> memref<1024000xf32, #tpu.memory_space<hbm>>
    tpu.enqueue_indirect_dma source(%dma_start3A_8 : memref<1024000xf32, #tpu.memory_space<hbm>>) target(%arg12 : memref<1600xf32, #tpu.memory_space<vmem>>) offsets(%arg11 : memref<1600xi32, #tpu.memory_space<vmem>>) semaphore(%arg19 : memref<!tpu.dma_semaphore, #tpu.memory_space<semaphore_mem>>)
    %dma_start3A_9 = arith.constant 0 : i32
    %dma_start3A_10 = tpu.memref_slice %arg9[%dma_start3A_9] : memref<1600xi32, #tpu.memory_space<vmem>> -> memref<32xi32, #tpu.memory_space<vmem>>
    %dma_start3A_11 = arith.constant 0 : i32
    %dma_start3A_12 = arith.constant 0 : i32
    %dma_start3A_13 = tpu.memref_slice %arg2[%dma_start3A_11, %dma_start3A_12] : memref<1000x1024xf32, #tpu.memory_space<hbm>> -> memref<1000x1024xf32, #tpu.memory_space<hbm>>
    tpu.enqueue_indirect_dma source(%dma_start3A_13 : memref<1000x1024xf32, #tpu.memory_space<hbm>>) target(%arg13 : memref<32x1024xf32, #tpu.memory_space<vmem>>) offsets(%dma_start3A_10 : memref<32xi32, #tpu.memory_space<vmem>>) semaphore(%arg17 : memref<!tpu.dma_semaphore, #tpu.memory_space<semaphore_mem>>)
    %scan3A_14 = arith.constant 0 : i32
    %scan3A_15 = arith.constant 0 : i32
    %scan3A_16 = arith.constant 25 : i32
    %scan3A_17 = arith.addi %scan3A_15, %scan3A_16 : i32
    %scan3A_18 = arith.constant 1 : i32
    scf.for %scan3A_29 = %scan3A_15 to %scan3A_17 step %scan3A_18  : i32 {
      %mul3A_30 = arith.constant 2 : i32
      %mul3A_31 = arith.muli %scan3A_29, %mul3A_30 : i32
      %add3A_32 = arith.constant 0 : i32
      %add3A_33 = arith.addi %mul3A_31, %add3A_32 : i32
      %add3A_34 = arith.constant 1 : i32
      %add3A_35 = arith.addi %add3A_33, %add3A_34 : i32
      %lt3A = arith.constant 50 : i32
      %lt3A_36 = arith.cmpi slt, %add3A_35, %lt3A : i32
      %convert_element_type3A = arith.extui %lt3A_36 : i1 to i32
      %cond3A = arith.constant 0 : i32
      %cond3A_37 = arith.cmpi ne, %convert_element_type3A, %cond3A : i32
      scf.if %cond3A_37 {
        %add3A_67 = arith.constant 1 : i32
        %add3A_68 = arith.addi %add3A_33, %add3A_67 : i32
        %mul3A_69 = arith.constant 32 : i32
        %mul3A_70 = arith.muli %add3A_68, %mul3A_69 : i32
        %dma_start3A_71 = tpu.memref_slice %arg9[%mul3A_70] : memref<1600xi32, #tpu.memory_space<vmem>> -> memref<32xi32, #tpu.memory_space<vmem>>
        %dma_start3A_72 = arith.constant 0 : i32
        %dma_start3A_73 = arith.constant 0 : i32
        %dma_start3A_74 = tpu.memref_slice %arg2[%dma_start3A_72, %dma_start3A_73] : memref<1000x1024xf32, #tpu.memory_space<hbm>> -> memref<1000x1024xf32, #tpu.memory_space<hbm>>
        tpu.enqueue_indirect_dma source(%dma_start3A_74 : memref<1000x1024xf32, #tpu.memory_space<hbm>>) target(%arg14 : memref<32x1024xf32, #tpu.memory_space<vmem>>) offsets(%dma_start3A_71 : memref<32xi32, #tpu.memory_space<vmem>>) semaphore(%arg18 : memref<!tpu.dma_semaphore, #tpu.memory_space<semaphore_mem>>)
      } else {
      }
      %dma_wait3A_38 = arith.constant 0 : i32
      %dma_wait3A_39 = arith.constant 0 : i32
      %dma_wait3A_40 = tpu.memref_slice %arg2[%dma_wait3A_38, %dma_wait3A_39] : memref<1000x1024xf32, #tpu.memory_space<hbm>> -> memref<32x1024xf32, #tpu.memory_space<hbm>>
      %dma_wait3A_41 = arith.constant 0 : i32
      %dma_wait3A_42 = arith.constant 0 : i32
      %dma_wait3A_43 = tpu.memref_slice %arg2[%dma_wait3A_41, %dma_wait3A_42] : memref<1000x1024xf32, #tpu.memory_space<hbm>> -> memref<32x1024xf32, #tpu.memory_space<hbm>>
      tpu.wait_dma2 semaphore(%arg17 : memref<!tpu.dma_semaphore, #tpu.memory_space<semaphore_mem>>) src(%dma_wait3A_43 : memref<32x1024xf32, #tpu.memory_space<hbm>>) dst(%arg13 : memref<32x1024xf32, #tpu.memory_space<vmem>>)
      %mul3A_44 = arith.constant 32 : i32
      %mul3A_45 = arith.muli %add3A_33, %mul3A_44 : i32
      %add3A_46 = arith.addi %mul3A_2, %mul3A_45 : i32
      "tpu.region"() ({
        %run_scoped3A = tpu.sem_alloc : memref<!tpu.dma_semaphore, #tpu.memory_space<semaphore_mem>>
        %dma_start3A_67 = arith.constant 0 : i32
        %dma_start3A_68 = tpu.memref_slice %arg7[%add3A_46, %dma_start3A_67] : memref<51200x1024xf32, #tpu.memory_space<hbm>> -> memref<32x1024xf32, #tpu.memory_space<hbm>>
        %dma_start3A_69 = arith.constant 0 : i32
        %dma_start3A_70 = tpu.memref_slice %arg7[%add3A_46, %dma_start3A_69] : memref<51200x1024xf32, #tpu.memory_space<hbm>> -> memref<32x1024xf32, #tpu.memory_space<hbm>>
        tpu.enqueue_dma source(%arg13 : memref<32x1024xf32, #tpu.memory_space<vmem>>) target(%dma_start3A_70 : memref<32x1024xf32, #tpu.memory_space<hbm>>) target_semaphore(%run_scoped3A : memref<!tpu.dma_semaphore, #tpu.memory_space<semaphore_mem>>)
        %dma_wait3A_71 = arith.constant 0 : i32
        %dma_wait3A_72 = tpu.memref_slice %arg7[%add3A_46, %dma_wait3A_71] : memref<51200x1024xf32, #tpu.memory_space<hbm>> -> memref<32x1024xf32, #tpu.memory_space<hbm>>
        %dma_wait3A_73 = arith.constant 0 : i32
        %dma_wait3A_74 = tpu.memref_slice %arg7[%add3A_46, %dma_wait3A_73] : memref<51200x1024xf32, #tpu.memory_space<hbm>> -> memref<32x1024xf32, #tpu.memory_space<hbm>>
        tpu.wait_dma2 semaphore(%run_scoped3A : memref<!tpu.dma_semaphore, #tpu.memory_space<semaphore_mem>>) src(%arg13 : memref<32x1024xf32, #tpu.memory_space<vmem>>) dst(%dma_wait3A_74 : memref<32x1024xf32, #tpu.memory_space<hbm>>)
        tpu.yield
      }) : () -> ()
      %mul3A_47 = arith.constant 2 : i32
      %mul3A_48 = arith.muli %scan3A_29, %mul3A_47 : i32
      %add3A_49 = arith.constant 1 : i32
      %add3A_50 = arith.addi %mul3A_48, %add3A_49 : i32
      %add3A_51 = arith.constant 1 : i32
      %add3A_52 = arith.addi %add3A_50, %add3A_51 : i32
      %lt3A_53 = arith.constant 50 : i32
      %lt3A_54 = arith.cmpi slt, %add3A_52, %lt3A_53 : i32
      %convert_element_type3A_55 = arith.extui %lt3A_54 : i1 to i32
      %cond3A_56 = arith.constant 0 : i32
      %cond3A_57 = arith.cmpi ne, %convert_element_type3A_55, %cond3A_56 : i32
      scf.if %cond3A_57 {
        %add3A_67 = arith.constant 1 : i32
        %add3A_68 = arith.addi %add3A_50, %add3A_67 : i32
        %mul3A_69 = arith.constant 32 : i32
        %mul3A_70 = arith.muli %add3A_68, %mul3A_69 : i32
        %dma_start3A_71 = tpu.memref_slice %arg9[%mul3A_70] : memref<1600xi32, #tpu.memory_space<vmem>> -> memref<32xi32, #tpu.memory_space<vmem>>
        %dma_start3A_72 = arith.constant 0 : i32
        %dma_start3A_73 = arith.constant 0 : i32
        %dma_start3A_74 = tpu.memref_slice %arg2[%dma_start3A_72, %dma_start3A_73] : memref<1000x1024xf32, #tpu.memory_space<hbm>> -> memref<1000x1024xf32, #tpu.memory_space<hbm>>
        tpu.enqueue_indirect_dma source(%dma_start3A_74 : memref<1000x1024xf32, #tpu.memory_space<hbm>>) target(%arg13 : memref<32x1024xf32, #tpu.memory_space<vmem>>) offsets(%dma_start3A_71 : memref<32xi32, #tpu.memory_space<vmem>>) semaphore(%arg17 : memref<!tpu.dma_semaphore, #tpu.memory_space<semaphore_mem>>)
      } else {
      }
      %dma_wait3A_58 = arith.constant 0 : i32
      %dma_wait3A_59 = arith.constant 0 : i32
      %dma_wait3A_60 = tpu.memref_slice %arg2[%dma_wait3A_58, %dma_wait3A_59] : memref<1000x1024xf32, #tpu.memory_space<hbm>> -> memref<32x1024xf32, #tpu.memory_space<hbm>>
      %dma_wait3A_61 = arith.constant 0 : i32
      %dma_wait3A_62 = arith.constant 0 : i32
      %dma_wait3A_63 = tpu.memref_slice %arg2[%dma_wait3A_61, %dma_wait3A_62] : memref<1000x1024xf32, #tpu.memory_space<hbm>> -> memref<32x1024xf32, #tpu.memory_space<hbm>>
      tpu.wait_dma2 semaphore(%arg18 : memref<!tpu.dma_semaphore, #tpu.memory_space<semaphore_mem>>) src(%dma_wait3A_63 : memref<32x1024xf32, #tpu.memory_space<hbm>>) dst(%arg14 : memref<32x1024xf32, #tpu.memory_space<vmem>>)
      %mul3A_64 = arith.constant 32 : i32
      %mul3A_65 = arith.muli %add3A_50, %mul3A_64 : i32
      %add3A_66 = arith.addi %mul3A_2, %mul3A_65 : i32
      "tpu.region"() ({
        %run_scoped3A = tpu.sem_alloc : memref<!tpu.dma_semaphore, #tpu.memory_space<semaphore_mem>>
        %dma_start3A_67 = arith.constant 0 : i32
        %dma_start3A_68 = tpu.memref_slice %arg7[%add3A_66, %dma_start3A_67] : memref<51200x1024xf32, #tpu.memory_space<hbm>> -> memref<32x1024xf32, #tpu.memory_space<hbm>>
        %dma_start3A_69 = arith.constant 0 : i32
        %dma_start3A_70 = tpu.memref_slice %arg7[%add3A_66, %dma_start3A_69] : memref<51200x1024xf32, #tpu.memory_space<hbm>> -> memref<32x1024xf32, #tpu.memory_space<hbm>>
        tpu.enqueue_dma source(%arg14 : memref<32x1024xf32, #tpu.memory_space<vmem>>) target(%dma_start3A_70 : memref<32x1024xf32, #tpu.memory_space<hbm>>) target_semaphore(%run_scoped3A : memref<!tpu.dma_semaphore, #tpu.memory_space<semaphore_mem>>)
        %dma_wait3A_71 = arith.constant 0 : i32
        %dma_wait3A_72 = tpu.memref_slice %arg7[%add3A_66, %dma_wait3A_71] : memref<51200x1024xf32, #tpu.memory_space<hbm>> -> memref<32x1024xf32, #tpu.memory_space<hbm>>
        %dma_wait3A_73 = arith.constant 0 : i32
        %dma_wait3A_74 = tpu.memref_slice %arg7[%add3A_66, %dma_wait3A_73] : memref<51200x1024xf32, #tpu.memory_space<hbm>> -> memref<32x1024xf32, #tpu.memory_space<hbm>>
        tpu.wait_dma2 semaphore(%run_scoped3A : memref<!tpu.dma_semaphore, #tpu.memory_space<semaphore_mem>>) src(%arg14 : memref<32x1024xf32, #tpu.memory_space<vmem>>) dst(%dma_wait3A_74 : memref<32x1024xf32, #tpu.memory_space<hbm>>)
        tpu.yield
      }) : () -> ()
    }
    %scan3A_19 = arith.constant 25 : i32
    %dma_wait3A = arith.constant 0 : i32
    %dma_wait3A_20 = tpu.memref_slice %arg3[%dma_wait3A] : memref<1024000xf32, #tpu.memory_space<hbm>> -> memref<1024000xf32, #tpu.memory_space<hbm>>
    tpu.wait_indirect_dma semaphore(%arg19 : memref<!tpu.dma_semaphore, #tpu.memory_space<semaphore_mem>>) src(%dma_wait3A_20 : memref<1024000xf32, #tpu.memory_space<hbm>>) dst(%arg12 : memref<1600xf32, #tpu.memory_space<vmem>>)
    %broadcast_in_dim3A = arith.constant 0.000000e+00 : f32
    %broadcast_in_dim3A_21 = vector.broadcast %broadcast_in_dim3A : f32 to vector<16xf32>
    %scan3A_22 = arith.constant 0 : i32
    %scan3A_23 = arith.constant 100 : i32
    %scan3A_24 = arith.addi %scan3A_22, %scan3A_23 : i32
    %scan3A_25 = arith.constant 1 : i32
    %scan3A_26 = scf.for %scan3A_29 = %scan3A_22 to %scan3A_24 step %scan3A_25 iter_args(%scan3A_30 = %broadcast_in_dim3A_21) -> (vector<16xf32>)  : i32 {
      %mul3A_31 = arith.constant 16 : i32
      %mul3A_32 = arith.muli %scan3A_29, %mul3A_31 : i32
      %get3A = arith.index_cast %mul3A_32 : i32 to index
      %get3A_33 = tpu.vector_load %arg9[%get3A] {strides = array<i32>} : memref<1600xi32, #tpu.memory_space<vmem>>, vector<16xi32>,
      %gather3A = tpu.vector_load_idx %arg15[%get3A_33] : memref<1024xf32, #tpu.memory_space<vmem>>[vector<16xi32>], vector<16xf32>,
      %add3A_34 = arith.addf %scan3A_30, %gather3A : vector<16xf32>
      %mul3A_35 = arith.constant 16 : i32
      %mul3A_36 = arith.muli %scan3A_29, %mul3A_35 : i32
      %get3A_37 = arith.index_cast %mul3A_36 : i32 to index
      %get3A_38 = tpu.vector_load %arg12[%get3A_37] {strides = array<i32>} : memref<1600xf32, #tpu.memory_space<vmem>>, vector<16xf32>,
      %sub3A = arith.subf %add3A_34, %get3A_38 : vector<16xf32>
      scf.yield %sub3A : vector<16xf32>
    }
    %scan3A_27 = arith.constant 100 : i32
    %swap3A = arith.constant 0 : index
    %swap3A_28 = tpu.vector_load %arg16[%swap3A] {strides = array<i32>} : memref<16xf32, #tpu.memory_space<vmem>>, vector<16xf32>,
    tpu.vector_store %arg16[%swap3A], %scan3A_26 {strides = array<i32>} : memref<16xf32, #tpu.memory_space<vmem>>, vector<16xf32>,
    "tpu.region"() ({
      %run_scoped3A = tpu.sem_alloc : memref<!tpu.dma_semaphore, #tpu.memory_space<semaphore_mem>>
      %dma_start3A_29 = arith.constant 0 : i32
      %dma_start3A_30 = tpu.memref_slice %arg8[%add3A, %dma_start3A_29] : memref<32x16xf32, #tpu.memory_space<hbm>> -> memref<1x16xf32, #tpu.memory_space<hbm>>
      %dma_start3A_31 = tpu.memref_squeeze %dma_start3A_30 : memref<1x16xf32, #tpu.memory_space<hbm>> -> memref<16xf32, #tpu.memory_space<hbm>>
      %dma_start3A_32 = arith.constant 0 : i32
      %dma_start3A_33 = tpu.memref_slice %arg8[%add3A, %dma_start3A_32] : memref<32x16xf32, #tpu.memory_space<hbm>> -> memref<1x16xf32, #tpu.memory_space<hbm>>
      %dma_start3A_34 = tpu.memref_squeeze %dma_start3A_33 : memref<1x16xf32, #tpu.memory_space<hbm>> -> memref<16xf32, #tpu.memory_space<hbm>>
      tpu.enqueue_dma source(%arg16 : memref<16xf32, #tpu.memory_space<vmem>>) target(%dma_start3A_34 : memref<16xf32, #tpu.memory_space<hbm>>) target_semaphore(%run_scoped3A : memref<!tpu.dma_semaphore, #tpu.memory_space<semaphore_mem>>)
      %dma_wait3A_35 = arith.constant 0 : i32
      %dma_wait3A_36 = tpu.memref_slice %arg8[%add3A, %dma_wait3A_35] : memref<32x16xf32, #tpu.memory_space<hbm>> -> memref<1x16xf32, #tpu.memory_space<hbm>>
      %dma_wait3A_37 = tpu.memref_squeeze %dma_wait3A_36 : memref<1x16xf32, #tpu.memory_space<hbm>> -> memref<16xf32, #tpu.memory_space<hbm>>
      %dma_wait3A_38 = arith.constant 0 : i32
      %dma_wait3A_39 = tpu.memref_slice %arg8[%add3A, %dma_wait3A_38] : memref<32x16xf32, #tpu.memory_space<hbm>> -> memref<1x16xf32, #tpu.memory_space<hbm>>
      %dma_wait3A_40 = tpu.memref_squeeze %dma_wait3A_39 : memref<1x16xf32, #tpu.memory_space<hbm>> -> memref<16xf32, #tpu.memory_space<hbm>>
      tpu.wait_dma2 semaphore(%run_scoped3A : memref<!tpu.dma_semaphore, #tpu.memory_space<semaphore_mem>>) src(%arg16 : memref<16xf32, #tpu.memory_space<vmem>>) dst(%dma_wait3A_40 : memref<16xf32, #tpu.memory_space<hbm>>)
      tpu.yield
    }) : () -> ()
    return
  }
}

module attributes {stable_mosaic.version = 14 : i64} {
  func.func @_lse_body(%arg0: memref<1000x1000xf32, #tpu.memory_space<vmem>>, %arg1: memref<1024xf32, #tpu.memory_space<vmem>>) attributes {dimension_semantics = [], scalar_prefetch = 0 : i64, scratch_operands = 0 : i64, tpu.core_type = #tpu.core_type<tc>} {
    %get3A = arith.constant 0 : index
    %get3A_0 = arith.constant 0 : index
    %get3A_1 = vector.load %arg0[%get3A, %get3A_0] : memref<1000x1000xf32, #tpu.memory_space<vmem>>, vector<1000x1000xf32>
    %reduce_max3A = arith.constant dense<0xFF800000> : vector<1000xf32>
    %reduce_max3A_2 = vector.multi_reduction <maximumf>, %get3A_1, %reduce_max3A [1] : vector<1000x1000xf32> to vector<1000xf32>
    %broadcast_in_dim3A = vector.shape_cast %reduce_max3A_2 : vector<1000xf32> to vector<1000x1xf32>
    %sub3A = vector.broadcast %broadcast_in_dim3A : vector<1000x1xf32> to vector<1000x1000xf32>
    %sub3A_3 = arith.subf %get3A_1, %sub3A : vector<1000x1000xf32>
    %exp3A = math.exp %sub3A_3 : vector<1000x1000xf32>
    %reduce_sum3A = arith.constant dense<0.000000e+00> : vector<1000xf32>
    %reduce_sum3A_4 = vector.multi_reduction <add>, %exp3A, %reduce_sum3A [1] : vector<1000x1000xf32> to vector<1000xf32>
    %log3A = math.log %reduce_sum3A_4 : vector<1000xf32>
    %add3A = arith.addf %reduce_max3A_2, %log3A : vector<1000xf32>
    %broadcast_in_dim3A_5 = arith.constant 0.000000e+00 : f32
    %broadcast_in_dim3A_6 = vector.broadcast %broadcast_in_dim3A_5 : f32 to vector<24xf32>
    %concatenate3A = tpu.concatenate %add3A, %broadcast_in_dim3A_6 in 0 : vector<1000xf32>, vector<24xf32> -> vector<1024xf32>
    %swap3A = arith.constant 0 : index
    %swap3A_7 = vector.load %arg1[%swap3A] : memref<1024xf32, #tpu.memory_space<vmem>>, vector<1024xf32>
    tpu.vector_store %arg1[%swap3A], %concatenate3A {strides = array<i32>} : memref<1024xf32, #tpu.memory_space<vmem>>, vector<1024xf32>,
    return
  }
}

</mosaic_0001>

<sc_bundles>
// kernel: kernel.4.cloned.1.call-start
scs
__scs_entry_jumppad:
0x0: {  	(pc) =	sbr.rel $0x88, $3  }
0x1: {  	(tag) =	ssettag $0x0;
	lr =	simm.s32 $0x1  }
0x2: {  	[smem:$0x3F9E] =	sst lr;
	_ =	strace $0xD0000000  }
0x3: {  	_ = 	snop  }
0x4: {  	_ = 	snop  }
0x5: {  	_ = 	snop  }
0x6: {  	_ = 	snop  }
0x7: {  	_ = 	snop  }
__scs_overlays_trampoline_lowered:
0x8: {  	[smem:$0x3FAD] =	sst s0  }
0x9: {  	[smem:$0x3FAE] =	sst s1  }
0xa: {  	[smem:$0x3FAF] =	sst s2  }
0xb: {  	[smem:$0x3FB0] =	sst s3  }
0xc: {  	[smem:$0x3FB1] =	sst s4  }
0xd: {  	[smem:$0x3FB2] =	sst s5  }
0xe: {  	[smem:$0x3FB3] =	sst s6  }
0xf: {  	[smem:$0x3FB4] =	sst s7  }
0x10: {  	[smem:$0x3FB5] =	sst s8  }
0x11: {  	[smem:$0x3FB6] =	sst s9;
	s0 =	simm.s32 @!p0 $0x0  }
0x12: {  	s1 =	sld [smem:$0x3F9C];
	s0 =	simm.s32 @p0 $0x1  }
0x13: {  	[smem:$0x3FB7] =	sst s0;
	s0 =	simm.s32 @!p1 $0x0  }
0x14: {  	s2 =	sld [smem:$0x3F9B];
	s0 =	simm.s32 @p1 $0x1  }
0x15: {  	[smem:$0x3FB8] =	sst s0;
	s0 =	simm.s32 @!p2 $0x0  }
0x16: {  	s3 =	sld [smem:$0x3FDB];
	s0 =	simm.s32 @p2 $0x1  }
0x17: {  	s4 =	simm.s32 $0x1BF5;
	[smem:$0x3FBA] =	sst s0  }
0x18: {  	s0 =	sld [smem:$0x3F9D];
	_ =	swait.ge [sflag:s4], $0x0  }
0x19: {  	s7 =	sld [smem:$0x3F9E]  }
0x1a: {  	s8 =	sadd.s32 $0xFFFFE003, lr  }
0x1b: {  	s9 =	sadd.s32 $0xFFFFFEF7, lr;
	s5 =	simm.s32 $0xFFFFFFFF;
	p2 =	slt.u32 s8, $0xFFFFF086  }
0x1c: {  	p1 =	slt.u32 s9, $0xF7A;
	s5 =	simm.s32 @!p2 $0x0  }
0x1d: {  	s5 =	simm.s32 @p1 $0x1;
	p0 =	seq.s32 s7, s2  }
0x1e: {  	s7 =	smul.u32 @!p0 $0xF7A, s2;
	p2 =	seq.s32 @!p0 s5, $0x0  }
0x1f: {  	s9 =	smul.u32 $0xF7A, s1;
	s8 =	simm.s32 @!p0 $0x1BF5;
	p2 =	por !p2, p0  }
0x20: {  	[sflag:s8] =	ssyncset.s32 @!p0 $0xFFFFF086;
	s6 =	sadd.s32 @!p0 s3, s7;
	s7 =	simm.s32 @!p0 $0x108  }
0x21: {  	s3 =	sadd.s32 s3, s9;
	s6 =	sadd.s32 @!p0 $0x88, s6;
	s7 =	simm.s32 @p2 $0x1082  }
0x22: {  	[simem:s7], [sflag:s8] =	dma.local @!p0 [hbm:s6], $0xF7A  }
0x23: {  	s9 =	sor.u32 $0xD0000000, s2;
	s6 =	simm.s32 $0x108;
	_ =	swait.ge @!p0 [sflag:s8], $0x0  }
0x24: {  	s3 =	sadd.s32 $0x88, s3;
	s6 =	simm.s32 @!p1 $0x1082;
	[sflag:s4] =	ssyncset.s32 $0xFFFFF086  }
0x25: {  	[simem:s6], [sflag:s4] =	dma.local [hbm:s3], $0xF7A  }
0x26: {  	[smem:$0x3F9E] =	sst s1;
	(tag) =	ssettag s2;
	_ =	strace s9  }
0x27: {  	s1 =	sld [smem:$0x3FAE]  }
0x28: {  	s2 =	sld [smem:$0x3FAF]  }
0x29: {  	s4 =	sld [smem:$0x3FB1]  }
0x2a: {  	p0 =	seq.s32 s5, $0x0;
	s5 =	sld [smem:$0x3FB2]  }
0x2b: {  	s6 =	sld [smem:$0x3FB3]  }
0x2c: {  	s7 =	sld [smem:$0x3FB4]  }
0x2d: {  	s3 =	simm.s32 $0x108;
	s8 =	sld [smem:$0x3FB5]  }
0x2e: {  	s3 =	simm.s32 @!p0 $0x1082;
	s9 =	sld [smem:$0x3FB6]  }
0x2f: {  	lr =	sadd.s32 s0, s3;
	s0 =	sld [smem:$0x3FAD]  }
0x30: {  	s3 =	sld [smem:$0x3FB0]  }
0x31: {  	[smem:$0x3FB9] =	sst s10  }
0x32: {  	s10 =	sld [smem:$0x3FB7];
	_ =	sdelay $0x3  }
0x33: {  	p0 =	seq.s32 s10, $0x1;
	s10 =	sld [smem:$0x3FB9];
	_ =	sdelay $0x3  }
0x34: {  	[smem:$0x3FB9] =	sst s10  }
0x35: {  	s10 =	sld [smem:$0x3FB8];
	_ =	sdelay $0x3  }
0x36: {  	p1 =	seq.s32 s10, $0x1;
	s10 =	sld [smem:$0x3FB9];
	_ =	sdelay $0x3  }
0x37: {  	[smem:$0x3FB9] =	sst s10  }
0x38: {  	s10 =	sld [smem:$0x3FBA]  }
0x39: {  	_ = 	snop;
	(pc) =	sbr.ind lr, $3  }
0x3a: {  	_ = 	snop  }
0x3b: {  	_ = 	snop  }
0x3c: {  	p2 =	seq.s32 s10, $0x1;
	s10 =	sld [smem:$0x3FB9]  }
0x3d: {  	_ =	shalt  }
0x3e: {  	_ =	shalt  }
0x3f: {  	_ =	shalt  }
0x40: {  	_ =	shalt  }
0x41: {  	_ =	shalt  }
0x42: {  	_ =	shalt  }
0x43: {  	_ =	shalt  }
0x44: {  	_ =	shalt  }
0x45: {  	_ =	shalt  }
0x46: {  	_ =	shalt  }
0x47: {  	_ =	shalt  }
0x48: {  	_ =	shalt  }
0x49: {  	_ =	shalt  }
0x4a: {  	_ =	shalt  }
0x4b: {  	_ =	shalt  }
0x4c: {  	_ =	shalt  }
0x4d: {  	_ =	shalt  }
0x4e: {  	_ =	shalt  }
0x4f: {  	_ =	shalt  }
0x50: {  	_ =	shalt  }
0x51: {  	_ =	shalt  }
0x52: {  	_ =	shalt  }
0x53: {  	_ =	shalt  }
0x54: {  	_ =	shalt  }
0x55: {  	_ =	shalt  }
0x56: {  	_ =	shalt  }
0x57: {  	_ =	shalt  }
0x58: {  	_ =	shalt  }
0x59: {  	_ =	shalt  }
0x5a: {  	_ =	shalt  }
0x5b: {  	_ =	shalt  }
0x5c: {  	_ =	shalt  }
0x5d: {  	_ =	shalt  }
0x5e: {  	_ =	shalt  }
0x5f: {  	_ =	shalt  }
0x60: {  	_ =	shalt  }
0x61: {  	_ =	shalt  }
0x62: {  	_ =	shalt  }
0x63: {  	_ =	shalt  }
0x64: {  	_ =	shalt  }
0x65: {  	_ =	shalt  }
0x66: {  	_ =	shalt  }
0x67: {  	_ =	shalt  }
0x68: {  	_ =	shalt  }
0x69: {  	_ =	shalt  }
0x6a: {  	_ =	shalt  }
0x6b: {  	_ =	shalt  }
0x6c: {  	_ =	shalt  }
0x6d: {  	_ =	shalt  }
0x6e: {  	_ =	shalt  }
0x6f: {  	_ =	shalt  }
0x70: {  	_ =	shalt  }
0x71: {  	_ =	shalt  }
0x72: {  	_ =	shalt  }
0x73: {  	_ =	shalt  }
0x74: {  	_ =	shalt  }
0x75: {  	_ =	shalt  }
0x76: {  	_ =	shalt  }
0x77: {  	_ =	shalt  }
0x78: {  	_ =	shalt  }
0x79: {  	_ =	shalt  }
0x7a: {  	_ =	shalt  }
0x7b: {  	_ =	shalt  }
0x7c: {  	_ =	shalt  }
0x7d: {  	_ =	shalt  }
0x7e: {  	_ =	shalt  }
0x7f: {  	_ =	shalt  }
0x80: {  	_ =	shalt  }
0x81: {  	_ =	shalt  }
0x82: {  	_ =	shalt  }
0x83: {  	_ =	shalt  }
0x84: {  	_ =	shalt  }
0x85: {  	_ =	shalt  }
0x86: {  	_ =	shalt  }
0x87: {  	_ =	shalt  }
.Lfunc_end0:
.L_simem_size_0:
called_computation.1_lowered:
.L_overlay_start_0:
0x88: {  	s2 =	sld [smem:$0x3FD9]  }
0x89: {  	s3 =	sld [smem:$0x3FFE];
	_ =	sdelay $0x1  }
0x8a: {  	s1 =	srdreg.scid  }
0x8b: {  	s0 =	sand.u32 $0x1, s1  }
0x8c: {  	s14 =	sshll.u32 s0, $0xA;
	s2 =	sadd.s32 s3, s2  }
0x8d: {  	s2 =	sadd.s32 s2, s14  }
0x8e: {  	[smem:$0x3FC5] =	sst s2  }
0x8f: {  	_ = 	snop  }
0x90: {  	s2 =	sld [smem:$0x3FD0];
	_ =	sdelay $0x2  }
0x91: {  	s15 =	simm.s32 $0xA;
	s4 =	simm.s32 $0x10  }
0x92: {  	[smem:s4], [sflag:s15] =	dma.local [hbm:s2], $0x1  }
0x93: {  	_ =	swait.eq [sflag:s15], $0x1  }
0x94: {  	[sflag:s15] =	ssyncset.done $0x0  }
0x95: {  	[sflag:s15] =	ssyncadd.s32 $0xFFFFFFFF  }
0x96: {  	s16 =	sld [smem:$0x10];
	(tm) =	ssettm $0x1  }
0x97: {  	s17 =	sld [smem:$0x3FFB];
	_ =	sdelay $0x3  }
0x98: {  	_ =	strace s17  }
0x99: {  	s3 =	sld [smem:$0x3FFC];
	_ =	sdelay $0x3  }
0x9a: {  	_ =	strace s3  }
0x9b: {  	s3 =	sld [smem:$0x3FFD];
	_ =	sdelay $0x3  }
0x9c: {  	_ =	strace s3  }
0x9d: {  	_ =	strace $0x8FFFFFFF  }
0x9e: {  	s18 =	sld [smem:$0x3FDB];
	_ =	sdelay $0x1  }
0x9f: {  	s19 =	simm.s32 $_scs_section_size  }
0xa0: {  	s5 =	simm.s32 $_size__tile_overlayer_lowered;
	s6 =	simm.s32 $_tile_overlayer_lowered  }
0xa1: {  	s22 =	simm.s32 $0x1BFF;
	s21 =	sshll.u32 s6, $0x1;
	s3 =	sadd.s32 s19, s18  }
0xa2: {  	s7 =	simm.s32 $0x0;
	s20 =	sshll.u32 s5, $0x1;
	s5 =	sadd.s32 s21, s3  }
0xa3: {  	[timem:s7], [sflag:s22] =	dma.local [hbm:s5], s20  }
0xa4: {  	_ =	swait.ge [sflag:s22], s20  }
0xa5: {  	s4 =	ssub.s32 $0x0, s20;
	[sflag:s22] =	ssyncset.done $0x0  }
0xa6: {  	[sflag:s22] =	ssyncadd.s32 s4;
	_ =	sdelay $0x1  }
0xa7: {  	s23 =	simm.s32 $0x1B8B  }
0xa8: {  	_ =	swait.ge [sflag:s23], $0x1  }
0xa9: {  	[sflag:s23] =	ssyncset.done $0x0  }
0xaa: {  	s25 =	simm.s32 $0x1B8E;
	s24 =	sld [smem:$0x3FFE];
	[sflag:s23] =	ssyncadd.s32 $0xFFFFFFFF  }
0xab: {  	s26 =	simm.s32 $execute0_lowered;
	[smem:$0x3FD2] =	sst s25  }
0xac: {  	s5 =	sshll.u32 s26, $0x1;
	_ =	strace $0x80000046;
	[dreg:$0x1] =	wrdreg $0xFFFFFFFF  }
0xad: {  	s28 =	simm.s32 $_size_execute0_lowered;
	s3 =	sadd.s32 s3, s5;
	[dreg:$0x0] =	wrdreg $0x0  }
0xae: {  	s5 =	sshll.u32 s28, $0x1;
	[dreg:$0x2] =	wrdreg s3  }
0xaf: {  	[dreg:$0x3] =	wrdreg s5  }
0xb0: {  	[dreg:$0x4] =	wrdreg $0xC0  }
0xb1: {  	_ =	task [dreg:s7], $0x5FFFF  }
0xb2: {  	[dreg:$0x1] =	wrdreg $0xFFFFFFFF  }
0xb3: {  	[dreg:$0x0] =	wrdreg $0x60  }
0xb4: {  	[dreg:$0x2] =	wrdreg s16  }
0xb5: {  	[dreg:$0x3] =	wrdreg s24  }
0xb6: {  	[dreg:$0x4] =	wrdreg $0x9  }
0xb7: {  	_ =	task.clear_ibuf [dreg:s7], $0x5FFFF;
	_ =	strace $0x90000046  }
0xb8: {  	s29 =	simm.s32 $0x9;
	_ =	strace $0x80000048  }
0xb9: {  	_ =	swait.ge [sflag:s29], $0x1  }
0xba: {  	[sflag:s29] =	ssyncadd.s32 $0xFFFFFFFF  }
0xbb: {  	_ =	strace $0x90000048  }
0xbc: {  	_ =	sfence  }
0xbd: {  	s30 =	sld [smem:$0x0];
	_ =	sdelay $0x2  }
0xbe: {  	s31 =	sshll.u32 s1, $0xD;
	s1 =	sshrl.u32 s1, $0x2  }
0xbf: {  	s3 =	sand.u32 $0x4000, s31;
	s1 =	sadd.s32 s1, s30  }
0xc0: {  	s0 =	sor.u32 s3, s0;
	s1 =	sshll.u32 s1, $0x11  }
0xc1: {  	s0 =	sor.u32 s1, s0  }
0xc2: {  	s0 =	sadd.s32 $0x8F2B, s0  }
0xc3: {  	[sflag:s0] =	ssyncadd.remote.s32 $0x1  }
0xc4: {  	_ =	sfence.sel $0xFFFF  }
0xc5: {  	[dreg:$0x0] =	wrdreg $0xFFFFFFFF;
	(pc) =	sbr.abs _section_cstart, $3  }
0xc6: {  	[dreg:$0x1] =	wrdreg $0xFFFFFFFF  }
0xc7: {  	_ =	task.clear_ibuf [dreg:s7], $0x2FFFF;
	_ =	strace $0x9FFFFFFF  }
0xc8: {  	(tm) =	ssettm $0x7FFFFFFF  }
0xc9: {  	_ =	shalt  }
tec
execute0_lowered:
.L_overlay_start_1:
0x0: {  	(tag) =	ssettag $0x1  }
0x1: {  	s2 =	rddreg [dreg:$0x0]  }
0x2: {  	s0 =	srdreg.scid;
	s1 =	rddreg [dreg:$0x1];
	s3 =	simm.s32 $0x0  }
0x3: {  	s8 =	stileid.u32;
	s17 =	simm.s32 $0xA200;
	[smem:$0x7FF] =	sst s3  }
0x4: {  	s18 =	simm.s32 $0xAA00;
	_ =	strace $0x80000047;
	[dreg:$0x5] =	wrdreg s17  }
0x5: {  	s19 =	simm.s32 $0xB200;
	s13 =	simm.s32 $0x4;
	[dreg:$0x6] =	wrdreg s18  }
0x6: {  	s20 =	simm.s32 $0xBA00;
	s21 =	simm.s32 $0xC200;
	[dreg:$0x7] =	wrdreg s19  }
0x7: {  	s22 =	simm.s32 $0xCA00;
	s23 =	simm.s32 $0xD200;
	[dreg:$0x8] =	wrdreg s20  }
0x8: {  	s24 =	simm.s32 $0xDA00;
	s25 =	simm.s32 $0xE200;
	[dreg:$0x9] =	wrdreg s21  }
0x9: {  	s26 =	simm.s32 $0xEA00;
	s28 =	simm.s32 $0xF200;
	[dreg:$0xa] =	wrdreg s22  }
0xa: {  	s29 =	simm.s32 $0xFA00;
	s30 =	simm.s32 $0x10200;
	[dreg:$0xb] =	wrdreg s23  }
0xb: {  	s31 =	simm.s32 $0x7200;
	s14 =	simm.s32 $0x8A00;
	[dreg:$0xc] =	wrdreg s24  }
0xc: {  	s0 =	sand.u32 $0x1, s0;
	s4 =	sshll.u32 s8, $0x1;
	[dreg:$0xd] =	wrdreg s25  }
0xd: {  	s8 =	smul.u32 $0x320000, s8;
	s10 =	sadd.s32 $0x24000, s1;
	[dreg:$0xe] =	wrdreg s26  }
0xe: {  	s6 =	sor.u32 s0, s4;
	s4 =	sadd.s32 $0x4A00, s1;
	[dreg:$0xf] =	wrdreg s28  }
0xf: {  	s9 =	ssub.s32 $0x2, s0;
	s0 =	smul.u32 $0x190000, s0;
	[dreg:$0x10] =	wrdreg s29  }
0x10: {  	s19 =	simm.s32 $0x1A00;
	[dreg:$0x11] =	wrdreg s30;
	s17 =	simm.s32 $0x9A00  }
0x11: {  	s18 =	simm.s32 $0x10A00;
	s20 =	simm.s32 $0x11200;
	s21 =	simm.s32 $0x1  }
0x12: {  	s22 =	simm.s32 $0x2;
	s23 =	simm.s32 $0x3;
	s24 =	simm.s32 $0x11E00  }
0x13: {  	s25 =	simm.s32 $0x0;
	s5 =	smul.u32 $0xC8, s6;
	s15 =	sshrl.u32 s9, $0x1  }
0x14: {  	s6 =	sshll.u32 s6, $0x4;
	s12 =	ssub.s32 s9, s15;
	s0 =	sadd.s32 s0, s8  }
0x15: {  	s8 =	sadd.s32 $0x100, s2;
	s9 =	sadd.s32 $0x200, s2;
	s15 =	simm.s32 $0x11A00  }
0x16: {  	s7 =	sadd.s32 s5, s1;
	s5 =	sadd.s32 $0x1400, s1;
	s1 =	sadd.s32 s6, s1  }
0x17: {  	s16 =	sshrl.u32 s0, $0x3;
	s0 =	sor.u32 $0x8000, s0;
	s12 =	smax.u32 s12, $0x1  }
0x18: {  	s6 =	sadd.s32 $0x1600, s7;
	s7 =	sadd.s32 $0x3000, s7;
	s11 =	sadd.s32 s16, s10  }
0x19: {  	v2 =	vlaneseq.u32;
	s0 =	sshrl.u32 s0, $0x3;
	s16 =	simm.s32 $0x9200;
	[dreg:$0x3] =	wrdreg s11  }
0x1a: {  	vm0 =	vmmov $0xffff;
	v1 =	vshrl.u32 v2, $0x3;
	s0 =	sadd.s32 s0, s10;
	s10 =	sadd.s32 $0x300, s2;
	s11 =	sadd.s32 $0x23E00, s1  }
0x1b: {  	v0 =	vand.u32 $0x7, v2;
	v2 =	vor.u32 $0x8, v2;
	v1 =	vmul.u32 $0x8, v1;
	s1 =	simm.s32 $0x7A00;
	[dreg:$0x4] =	wrdreg s0;
	s0 =	simm.s32 $0x8200  }
.LBB2_1:
0x1c: {  	[tilespmem:s3], [sflag:$0x4] =	stream.linear.gather [hbm4b:s6+s3], $0x640, $0x38;
	[tilespmem:$0x11E80] =	vst v63  }
0x1d: {  	_ =	swait.ge [sflag:s13], $0x640  }
0x1e: {  	[sflag:s13] =	ssyncset.done $0x0  }
0x1f: {  	s26 =	simm.s32 $0x680;
	[sflag:s13] =	ssyncadd.s32 $0xFFFFF9C0  }
0x20: {  	[tilespmem:s26], [sflag:$0x4] =	stream.linear.gather [hbm4b:s7+s3], $0x640, $0x38;
	[tilespmem:$0x11E80] =	vst v63  }
0x21: {  	_ =	swait.ge [sflag:s13], $0x640  }
0x22: {  	[sflag:s13] =	ssyncset.done $0x0  }
0x23: {  	[sflag:s13] =	ssyncadd.s32 $0xFFFFF9C0  }
0x24: {  	[tilespmem:s15], [sflag:$0x4] =	stream.linear.gather [hbm4b:s5+s3], $0x400, $0x38;
	[tilespmem:$0x11E80] =	vst v63  }
0x25: {  	_ =	swait.ge [sflag:s13], $0x400  }
0x26: {  	[sflag:s13] =	ssyncset.done $0x0  }
0x27: {  	s26 =	simm.s32 $0x0;
	[sflag:s13] =	ssyncadd.s32 $0xFFFFFC00  }
0x28: {  	v3 =	vld [tilespmem:s26+$0x0]  }
0x29: {  	s28 =	simm.s32 $0x40;
	v4 =	vld [tilespmem:s26+$0x680]  }
.LBB2_2:
0x2a: {  	p0 =	sne.s32 s28, $0x18C0  }
.Ltmp0:
0x2b: {  	_ = 	snop;
	(pc) =	sbr.rel @p0 .LBB2_2-.Ltmp0, $4  }
0x2c: {  	_ = 	snop  }
0x2d: {  	s29 =	sshra.s32 s28, $0x2;
	s28 =	sadd.s32 $0x40, s28;
	v5 =	vshll.u32 v3, $0xA  }
0x2e: {  	v3 =	vld [tilespmem:s29+$0x0];
	v5 =	vadd.s32 v4, v5  }
0x2f: {  	v4 =	vld [tilespmem:s29+$0x680];
	[tilespmem:s26+$0xD00] =	vst v5;
	s26 =	smov.u32 s29  }
0x30: {  	_ =	sdelay $0x2  }
0x31: {  	v3 =	vshll.u32 v3, $0xA  }
0x32: {  	v3 =	vadd.s32 v4, v3  }
0x33: {  	s30 =	simm.s32 $0x640;
	s28 =	simm.s32 $0xD00;
	s29 =	simm.s32 $0x1380;
	[tilespmem:s26+$0xD00] =	vst v3  }
0x34: {  	[tilespmem:s29], [sflag:$0x3] =	stream.indirect.gather [hbm4b:s4+s30], $0x1, s28, s30, $0xb8;
	[tilespmem:$0x11E80] =	vst v63  }
0x35: {  	v3 =	vld [tilespmem:$0x0];
	_ =	sdelay $0x4  }
0x36: {  	v62 =	vshll.u32 v3, $0x3  }
0x37: {  	v3 =	vand.u32 $0x7, v3;
	v4 =	vand.u32 $0xFFFFFFC0, v62  }
0x38: {  	v3 =	vor.u32 v3, v4  }
0x39: {  	v4 =	vperm.xlane v3, v0;
	_ =	sdelay $0x1  }
0x3a: {  	v4 =	vadd.s32 v1, v4;
	_ =	sdelay $0x3  }
0x3b: {  	s26 =	simm.s32 $0x0  }
0x3c: {  	[tilespmem:s19], [sflag:$0x1] =	stream.indirect_vreg.gather [hbm4b:s2+s26], $0x80, v4, vm0, $0xb8;
	[tilespmem:$0x11E80] =	vst v63  }
0x3d: {  	s28 =	simm.s32 $0x2200;
	v3 =	vperm.xlane v3, v2  }
0x3e: {  	[tilespmem:s28], [sflag:$0x1] =	stream.indirect_vreg.gather [hbm4b:s8+s26], $0x80, v4, vm0, $0xb8;
	[tilespmem:$0x11E80] =	vst v63  }
0x3f: {  	v3 =	vadd.s32 v1, v3;
	s28 =	simm.s32 $0x2A00  }
0x40: {  	[tilespmem:s28], [sflag:$0x1] =	stream.indirect_vreg.gather [hbm4b:s9+s26], $0x80, v4, vm0, $0xb8;
	[tilespmem:$0x11E80] =	vst v63  }
0x41: {  	s28 =	simm.s32 $0x3200  }
0x42: {  	[tilespmem:s28], [sflag:$0x1] =	stream.indirect_vreg.gather [hbm4b:s10+s26], $0x80, v4, vm0, $0xb8;
	[tilespmem:$0x11E80] =	vst v63  }
0x43: {  	s28 =	simm.s32 $0x3A00  }
0x44: {  	[tilespmem:s28], [sflag:$0x1] =	stream.indirect_vreg.gather [hbm4b:s2+s26], $0x80, v3, vm0, $0xb8;
	[tilespmem:$0x11E80] =	vst v63  }
0x45: {  	s28 =	simm.s32 $0x4200  }
0x46: {  	[tilespmem:s28], [sflag:$0x1] =	stream.indirect_vreg.gather [hbm4b:s8+s26], $0x80, v3, vm0, $0xb8;
	[tilespmem:$0x11E80] =	vst v63  }
0x47: {  	s28 =	simm.s32 $0x4A00  }
0x48: {  	[tilespmem:s28], [sflag:$0x1] =	stream.indirect_vreg.gather [hbm4b:s9+s26], $0x80, v3, vm0, $0xb8;
	[tilespmem:$0x11E80] =	vst v63  }
0x49: {  	s28 =	simm.s32 $0x5200  }
0x4a: {  	[tilespmem:s28], [sflag:$0x1] =	stream.indirect_vreg.gather [hbm4b:s10+s26], $0x80, v3, vm0, $0xb8;
	[tilespmem:$0x11E80] =	vst v63  }
0x4b: {  	v3 =	vld [tilespmem:$0x10];
	_ =	sdelay $0x4  }
0x4c: {  	v63 =	vshll.u32 v3, $0x3  }
0x4d: {  	v3 =	vand.u32 $0x7, v3;
	v4 =	vand.u32 $0xFFFFFFC0, v63  }
0x4e: {  	v3 =	vor.u32 v3, v4  }
0x4f: {  	v4 =	vperm.xlane v3, v0;
	_ =	sdelay $0x1  }
0x50: {  	v4 =	vadd.s32 v1, v4;
	_ =	sdelay $0x3  }
0x51: {  	s28 =	simm.s32 $0x5A00  }
0x52: {  	[tilespmem:s28], [sflag:$0x1] =	stream.indirect_vreg.gather [hbm4b:s2+s26], $0x80, v4, vm0, $0xb8;
	[tilespmem:$0x11E80] =	vst v63  }
0x53: {  	v3 =	vperm.xlane v3, v2;
	s28 =	simm.s32 $0x6200  }
0x54: {  	[tilespmem:s28], [sflag:$0x1] =	stream.indirect_vreg.gather [hbm4b:s8+s26], $0x80, v4, vm0, $0xb8;
	[tilespmem:$0x11E80] =	vst v63  }
0x55: {  	v3 =	vadd.s32 v1, v3;
	s28 =	simm.s32 $0x6A00  }
0x56: {  	[tilespmem:s28], [sflag:$0x1] =	stream.indirect_vreg.gather [hbm4b:s9+s26], $0x80, v4, vm0, $0xb8;
	[tilespmem:$0x11E80] =	vst v63  }
0x57: {  	_ = 	snop  }
0x58: {  	[tilespmem:s31], [sflag:$0x1] =	stream.indirect_vreg.gather [hbm4b:s10+s26], $0x80, v4, vm0, $0xb8;
	[tilespmem:$0x11E80] =	vst v63  }
0x59: {  	_ = 	snop  }
0x5a: {  	[tilespmem:s1], [sflag:$0x1] =	stream.indirect_vreg.gather [hbm4b:s2+s26], $0x80, v3, vm0, $0xb8;
	[tilespmem:$0x11E80] =	vst v63  }
0x5b: {  	_ = 	snop  }
0x5c: {  	[tilespmem:s0], [sflag:$0x1] =	stream.indirect_vreg.gather [hbm4b:s8+s26], $0x80, v3, vm0, $0xb8;
	[tilespmem:$0x11E80] =	vst v63  }
0x5d: {  	_ = 	snop  }
0x5e: {  	[tilespmem:s14], [sflag:$0x1] =	stream.indirect_vreg.gather [hbm4b:s9+s26], $0x80, v3, vm0, $0xb8;
	[tilespmem:$0x11E80] =	vst v63  }
0x5f: {  	s28 =	simm.s32 $0x30  }
0x60: {  	[tilespmem:s16], [sflag:$0x1] =	stream.indirect_vreg.gather [hbm4b:s10+s26], $0x80, v3, vm0, $0xb8;
	[tilespmem:$0x11E80] =	vst v63  }
.LBB2_4:
0x61: {  	v3 =	vld [tilespmem:s28+$0xFFFFFFF0];
	_ =	sdelay $0x4  }
0x62: {  	v4 =	vshll.u32 v3, $0x3  }
0x63: {  	v3 =	vand.u32 $0x7, v3;
	v4 =	vand.u32 $0xFFFFFFC0, v4  }
0x64: {  	v3 =	vor.u32 v3, v4  }
0x65: {  	v4 =	vperm.xlane v3, v0;
	_ =	sdelay $0x1  }
0x66: {  	v4 =	vadd.s32 v1, v4;
	_ =	sdelay $0x4  }
0x67: {  	[tilespmem:s17], [sflag:$0x2] =	stream.indirect_vreg.gather [hbm4b:s2+s3], $0x80, v4, vm0, $0xb8;
	[tilespmem:$0x11E80] =	vst v63  }
0x68: {  	s29 =	rddreg [dreg:$0x5];
	v3 =	vperm.xlane v3, v2  }
0x69: {  	[tilespmem:s29], [sflag:$0x2] =	stream.indirect_vreg.gather [hbm4b:s8+s3], $0x80, v4, vm0, $0xb8;
	[tilespmem:$0x11E80] =	vst v63  }
0x6a: {  	s30 =	rddreg [dreg:$0x6];
	v3 =	vadd.s32 v1, v3  }
0x6b: {  	[tilespmem:s30], [sflag:$0x2] =	stream.indirect_vreg.gather [hbm4b:s9+s3], $0x80, v4, vm0, $0xb8;
	[tilespmem:$0x11E80] =	vst v63  }
0x6c: {  	s29 =	rddreg [dreg:$0x7]  }
0x6d: {  	[tilespmem:s29], [sflag:$0x2] =	stream.indirect_vreg.gather [hbm4b:s10+s3], $0x80, v4, vm0, $0xb8;
	[tilespmem:$0x11E80] =	vst v63  }
0x6e: {  	s30 =	rddreg [dreg:$0x8]  }
0x6f: {  	[tilespmem:s30], [sflag:$0x2] =	stream.indirect_vreg.gather [hbm4b:s2+s3], $0x80, v3, vm0, $0xb8;
	[tilespmem:$0x11E80] =	vst v63  }
0x70: {  	s29 =	rddreg [dreg:$0x9]  }
0x71: {  	[tilespmem:s29], [sflag:$0x2] =	stream.indirect_vreg.gather [hbm4b:s8+s3], $0x80, v3, vm0, $0xb8;
	[tilespmem:$0x11E80] =	vst v63  }
0x72: {  	s30 =	rddreg [dreg:$0xa]  }
0x73: {  	[tilespmem:s30], [sflag:$0x2] =	stream.indirect_vreg.gather [hbm4b:s9+s3], $0x80, v3, vm0, $0xb8;
	[tilespmem:$0x11E80] =	vst v63  }
0x74: {  	s29 =	rddreg [dreg:$0xb]  }
0x75: {  	[tilespmem:s29], [sflag:$0x2] =	stream.indirect_vreg.gather [hbm4b:s10+s3], $0x80, v3, vm0, $0xb8;
	[tilespmem:$0x11E80] =	vst v63  }
0x76: {  	v3 =	vld [tilespmem:s28+$0x0];
	_ =	sdelay $0x4  }
0x77: {  	v63 =	vshll.u32 v3, $0x3  }
0x78: {  	v3 =	vand.u32 $0x7, v3;
	v4 =	vand.u32 $0xFFFFFFC0, v63  }
0x79: {  	v3 =	vor.u32 v3, v4  }
0x7a: {  	v4 =	vperm.xlane v3, v0;
	_ =	sdelay $0x1  }
0x7b: {  	v4 =	vadd.s32 v1, v4;
	_ =	sdelay $0x3  }
0x7c: {  	s29 =	rddreg [dreg:$0xc]  }
0x7d: {  	[tilespmem:s29], [sflag:$0x2] =	stream.indirect_vreg.gather [hbm4b:s2+s3], $0x80, v4, vm0, $0xb8;
	[tilespmem:$0x11E80] =	vst v63  }
0x7e: {  	s30 =	rddreg [dreg:$0xd];
	v3 =	vperm.xlane v3, v2  }
0x7f: {  	[tilespmem:s30], [sflag:$0x2] =	stream.indirect_vreg.gather [hbm4b:s8+s3], $0x80, v4, vm0, $0xb8;
	[tilespmem:$0x11E80] =	vst v63  }
0x80: {  	v3 =	vadd.s32 v1, v3;
	s29 =	rddreg [dreg:$0xe]  }
0x81: {  	[tilespmem:s29], [sflag:$0x2] =	stream.indirect_vreg.gather [hbm4b:s9+s3], $0x80, v4, vm0, $0xb8;
	[tilespmem:$0x11E80] =	vst v63  }
0x82: {  	s30 =	rddreg [dreg:$0xf]  }
0x83: {  	[tilespmem:s30], [sflag:$0x2] =	stream.indirect_vreg.gather [hbm4b:s10+s3], $0x80, v4, vm0, $0xb8;
	[tilespmem:$0x11E80] =	vst v63  }
0x84: {  	s29 =	rddreg [dreg:$0x10]  }
0x85: {  	[tilespmem:s29], [sflag:$0x2] =	stream.indirect_vreg.gather [hbm4b:s2+s3], $0x80, v3, vm0, $0xb8;
	[tilespmem:$0x11E80] =	vst v63  }
0x86: {  	s30 =	rddreg [dreg:$0x11]  }
0x87: {  	[tilespmem:s30], [sflag:$0x2] =	stream.indirect_vreg.gather [hbm4b:s8+s3], $0x80, v3, vm0, $0xb8;
	[tilespmem:$0x11E80] =	vst v63  }
0x88: {  	_ = 	snop  }
0x89: {  	[tilespmem:s18], [sflag:$0x2] =	stream.indirect_vreg.gather [hbm4b:s9+s3], $0x80, v3, vm0, $0xb8;
	[tilespmem:$0x11E80] =	vst v63  }
0x8a: {  	_ = 	snop  }
0x8b: {  	[tilespmem:s20], [sflag:$0x2] =	stream.indirect_vreg.gather [hbm4b:s10+s3], $0x80, v3, vm0, $0xb8;
	[tilespmem:$0x11E80] =	vst v63  }
0x8c: {  	_ =	swait.ge [sflag:s21], $0x8000  }
0x8d: {  	s30 =	rddreg [dreg:$0x3];
	[sflag:s21] =	ssyncset.done $0x0  }
0x8e: {  	[sflag:s21] =	ssyncadd.s32 $0xFFFF8000;
	s29 =	sadd.s32 s26, s30  }
0x8f: {  	[hbm4b:s29+s3] =	stream.linear.scatter [tilespmem:s19], [sflag:$0x4], $0x8000, $0x38;
	[tilespmem:$0x11E80] =	vst v63  }
0x90: {  	_ =	swait.ge [sflag:s13], $0x8000  }
0x91: {  	[sflag:s13] =	ssyncset.done $0x0  }
0x92: {  	p0 =	seq.s32 s26, $0x30000;
	[sflag:s13] =	ssyncadd.s32 $0xFFFF8000  }
0x93: {  	v3 =	vld @!p0 [tilespmem:s28+$0x10];
	_ =	sdelay $0x4  }
0x94: {  	v4 =	vshll.u32 @!p0 v3, $0x3  }
0x95: {  	v5 =	vlaneseq.u32 @!p0;
	v3 =	vand.u32 @!p0 $0x7, v3;
	v4 =	vand.u32 @!p0 $0xFFFFFFC0, v4  }
0x96: {  	v6 =	vshrl.u32 @!p0 v5, $0x3;
	v3 =	vor.u32 @!p0 v3, v4;
	v4 =	vand.u32 @!p0 $0x7, v5  }
0x97: {  	v6 =	vmul.u32 @!p0 $0x8, v6;
	v7 =	vperm.xlane @!p0 v3, v4;
	_ =	sdelay $0x1  }
0x98: {  	v7 =	vadd.s32 @!p0 v6, v7;
	_ =	sdelay $0x3  }
0x99: {  	vm1 =	vmmov @!p0 $0xffff;
	s30 =	simm.s32 @!p0 $0x1A00;
	s29 =	simm.s32 @!p0 $0x0  }
0x9a: {  	v5 =	vor.u32 @!p0 $0x8, v5;
	[tilespmem:s30], [sflag:$0x1] =	stream.indirect_vreg.gather @!p0 [hbm4b:s2+s29], $0x80, v7, vm1, $0xb8;
	[tilespmem:$0x11E80] =	vst v63  }
0x9b: {  	v3 =	vperm.xlane @!p0 v3, v5;
	s30 =	simm.s32 @!p0 $0x2200  }
0x9c: {  	[tilespmem:s30], [sflag:$0x1] =	stream.indirect_vreg.gather @!p0 [hbm4b:s8+s29], $0x80, v7, vm1, $0xb8;
	[tilespmem:$0x11E80] =	vst v63  }
0x9d: {  	v3 =	vadd.s32 @!p0 v6, v3;
	s30 =	simm.s32 @!p0 $0x2A00  }
0x9e: {  	[tilespmem:s30], [sflag:$0x1] =	stream.indirect_vreg.gather @!p0 [hbm4b:s9+s29], $0x80, v7, vm1, $0xb8;
	[tilespmem:$0x11E80] =	vst v63  }
0x9f: {  	s30 =	simm.s32 @!p0 $0x3200  }
0xa0: {  	[tilespmem:s30], [sflag:$0x1] =	stream.indirect_vreg.gather @!p0 [hbm4b:s10+s29], $0x80, v7, vm1, $0xb8;
	[tilespmem:$0x11E80] =	vst v63  }
0xa1: {  	s30 =	simm.s32 @!p0 $0x3A00  }
0xa2: {  	[tilespmem:s30], [sflag:$0x1] =	stream.indirect_vreg.gather @!p0 [hbm4b:s2+s29], $0x80, v3, vm1, $0xb8;
	[tilespmem:$0x11E80] =	vst v63  }
0xa3: {  	s30 =	simm.s32 @!p0 $0x4200  }
0xa4: {  	[tilespmem:s30], [sflag:$0x1] =	stream.indirect_vreg.gather @!p0 [hbm4b:s8+s29], $0x80, v3, vm1, $0xb8;
	[tilespmem:$0x11E80] =	vst v63  }
0xa5: {  	s30 =	simm.s32 @!p0 $0x4A00  }
0xa6: {  	[tilespmem:s30], [sflag:$0x1] =	stream.indirect_vreg.gather @!p0 [hbm4b:s9+s29], $0x80, v3, vm1, $0xb8;
	[tilespmem:$0x11E80] =	vst v63  }
0xa7: {  	s30 =	simm.s32 @!p0 $0x5200  }
0xa8: {  	[tilespmem:s30], [sflag:$0x1] =	stream.indirect_vreg.gather @!p0 [hbm4b:s10+s29], $0x80, v3, vm1, $0xb8;
	[tilespmem:$0x11E80] =	vst v63  }
0xa9: {  	v3 =	vld @!p0 [tilespmem:s28+$0x20];
	_ =	sdelay $0x4  }
0xaa: {  	v7 =	vshll.u32 @!p0 v3, $0x3  }
0xab: {  	v3 =	vand.u32 @!p0 $0x7, v3;
	v7 =	vand.u32 @!p0 $0xFFFFFFC0, v7  }
0xac: {  	v3 =	vor.u32 @!p0 v3, v7  }
0xad: {  	v4 =	vperm.xlane @!p0 v3, v4;
	_ =	sdelay $0x1  }
0xae: {  	v4 =	vadd.s32 @!p0 v6, v4;
	_ =	sdelay $0x3  }
0xaf: {  	s30 =	simm.s32 @!p0 $0x5A00  }
0xb0: {  	[tilespmem:s30], [sflag:$0x1] =	stream.indirect_vreg.gather @!p0 [hbm4b:s2+s29], $0x80, v4, vm1, $0xb8;
	[tilespmem:$0x11E80] =	vst v63  }
0xb1: {  	v3 =	vperm.xlane @!p0 v3, v5;
	s30 =	simm.s32 @!p0 $0x6200  }
0xb2: {  	[tilespmem:s30], [sflag:$0x1] =	stream.indirect_vreg.gather @!p0 [hbm4b:s8+s29], $0x80, v4, vm1, $0xb8;
	[tilespmem:$0x11E80] =	vst v63  }
0xb3: {  	v3 =	vadd.s32 @!p0 v6, v3;
	s30 =	simm.s32 @!p0 $0x6A00  }
0xb4: {  	[tilespmem:s30], [sflag:$0x1] =	stream.indirect_vreg.gather @!p0 [hbm4b:s9+s29], $0x80, v4, vm1, $0xb8;
	[tilespmem:$0x11E80] =	vst v63  }
0xb5: {  	s30 =	simm.s32 @!p0 $0x7200  }
0xb6: {  	[tilespmem:s30], [sflag:$0x1] =	stream.indirect_vreg.gather @!p0 [hbm4b:s10+s29], $0x80, v4, vm1, $0xb8;
	[tilespmem:$0x11E80] =	vst v63  }
0xb7: {  	s30 =	simm.s32 @!p0 $0x7A00  }
0xb8: {  	[tilespmem:s30], [sflag:$0x1] =	stream.indirect_vreg.gather @!p0 [hbm4b:s2+s29], $0x80, v3, vm1, $0xb8;
	[tilespmem:$0x11E80] =	vst v63  }
0xb9: {  	s30 =	simm.s32 @!p0 $0x8200  }
0xba: {  	[tilespmem:s30], [sflag:$0x1] =	stream.indirect_vreg.gather @!p0 [hbm4b:s8+s29], $0x80, v3, vm1, $0xb8;
	[tilespmem:$0x11E80] =	vst v63  }
0xbb: {  	s30 =	simm.s32 @!p0 $0x8A00  }
0xbc: {  	[tilespmem:s30], [sflag:$0x1] =	stream.indirect_vreg.gather @!p0 [hbm4b:s9+s29], $0x80, v3, vm1, $0xb8;
	[tilespmem:$0x11E80] =	vst v63  }
0xbd: {  	s30 =	simm.s32 @!p0 $0x9200  }
0xbe: {  	[tilespmem:s30], [sflag:$0x1] =	stream.indirect_vreg.gather @!p0 [hbm4b:s10+s29], $0x80, v3, vm1, $0xb8;
	[tilespmem:$0x11E80] =	vst v63  }
0xbf: {  	_ =	swait.ge [sflag:s22], $0x8000  }
0xc0: {  	s30 =	rddreg [dreg:$0x4]  }
0xc1: {  	s29 =	sadd.s32 s26, s30;
	s26 =	sadd.s32 $0x2000, s26  }
0xc2: {  	[sflag:s22] =	ssyncset.done $0x0;
	p0 =	sne.s32 s26, $0x32000  }
.Ltmp1:
0xc3: {  	[sflag:s22] =	ssyncadd.s32 $0xFFFF8000;
	(pc) =	sbr.rel @p0 .LBB2_4-.Ltmp1, $4  }
0xc4: {  	[hbm4b:s29+s3] =	stream.linear.scatter [tilespmem:s17], [sflag:$0x4], $0x8000, $0x38;
	[tilespmem:$0x11E80] =	vst v63  }
0xc5: {  	_ =	swait.ge [sflag:s13], $0x8000  }
0xc6: {  	[sflag:s13] =	ssyncset.done $0x0  }
0xc7: {  	s28 =	sadd.s32 $0x40, s28;
	[sflag:s13] =	ssyncadd.s32 $0xFFFF8000  }
0xc8: {  	_ =	swait.ge [sflag:s23], $0x640  }
0xc9: {  	[sflag:s23] =	ssyncset.done $0x0  }
0xca: {  	s26 =	simm.s32 $0x0;
	[sflag:s23] =	ssyncadd.s32 $0xFFFFF9C0  }
0xcb: {  	v4 =	vld [tilespmem:s26+$0x0];
	_ =	sdelay $0x7  }
0xcc: {  	v3 =	vimm.f32 $0.0e+00;
	s29 =	simm.s32 $0x10;
	s28 =	simm.s32 $0x80;
	v4 =	vld.idx.msk [tilespmem:v4+s15+$0x0], $0xffff  }
.LBB2_6:
0xcd: {  	p0 =	sne.s32 s28, $0x18C0;
	v5 =	vld [tilespmem:s29+$0x0];
	_ =	sdelay $0x1  }
0xce: {  	v6 =	vld [tilespmem:s26+$0x1380];
	s26 =	smov.u32 s29;
	_ =	sdelay $0x1  }
.Ltmp2:
0xcf: {  	(pc) =	sbr.rel @p0 .LBB2_6-.Ltmp2, $3  }
0xd0: {  	v3 =	vadd.f32 v4, v3;
	_ =	sdelay $0x1  }
0xd1: {  	v3 =	vsub.f32 v3, v6  }
0xd2: {  	s29 =	sshra.s32 s28, $0x2;
	s28 =	sadd.s32 $0x40, s28;
	v4 =	vld.idx.msk [tilespmem:v5+s15+$0x0], $0xffff  }
0xd3: {  	v5 =	vld [tilespmem:s29+$0x0];
	_ =	sdelay $0x5  }
0xd4: {  	v6 =	vld [tilespmem:s26+$0x1380];
	_ =	sdelay $0x1  }
0xd5: {  	v5 =	vld.idx.msk [tilespmem:v5+s15+$0x0], $0xffff  }
0xd6: {  	v3 =	vadd.f32 v4, v3  }
0xd7: {  	v63 =	vld [tilespmem:s29+$0x1380]  }
0xd8: {  	v3 =	vsub.f32 v3, v6;
	_ =	sdelay $0x1  }
0xd9: {  	v3 =	vadd.f32 v5, v3;
	_ =	sdelay $0x1  }
0xda: {  	s25 =	sadd.s32 $0x1, s25;
	v3 =	vsub.f32 v3, v63  }
0xdb: {  	p0 =	sne.s32 s25, s12  }
.Ltmp3:
0xdc: {  	[tilespmem:$0x11E00] =	vst v3;
	(pc) =	sbr.rel @p0 .LBB2_1-.Ltmp3, $4  }
0xdd: {  	[hbm4b:s11+s3] =	stream.linear.scatter [tilespmem:s24], [sflag:$0x4], $0x80, $0x38;
	[tilespmem:$0x11E80] =	vst v63  }
0xde: {  	_ =	swait.ge [sflag:s13], $0x80  }
0xdf: {  	[sflag:s13] =	ssyncset.done $0x0  }
0xe0: {  	[sflag:s13] =	ssyncadd.s32 $0xFFFFFF80  }
0xe1: {  	_ =	sfence.sel $0x180000  }
0xe2: {  	[bflag:$0x0] =	sbarrier.arrive $0xFFFF  }
0xe3: {  	_ =	strace $0x90000047  }
0xe4: {  	s0 =	stileid.u32;
	[bflag:$0x2] =	sbarrier.arrive $0xFFFF  }
0xe5: {  	p0 =	sne.s32 s0, $0x0;
	s0 =	rddreg [dreg:$0x2]  }
0xe6: {  	s0 =	sadd.s32 @!p0 $0x100000, s0  }
0xe7: {  	[sflag:s0] =	ssyncadd.tile.s32 @!p0 $0x1;
	_ =	shalt  }
.Lfunc_end2:
_tile_overlayer_lowered:
.L_overlay_start_2:
0xe8: {  	(tag) =	ssettag $0x2  }
0xe9: {  	s0 =	rddreg [dreg:$0x0];
	s2 =	stileid.u32  }
0xea: {  	s1 =	rddreg [dreg:$0x1];
	p0 =	sne.s32 s2, $0x0  }
0xeb: {  	s3 =	rddreg [dreg:$0x2];
	[bflag:$0x3] =	sbarrier.arrive $0xFFFF;
	s2 =	simm.s32 @!p0 $0x1C04  }
0xec: {  	[timem:s3], [sflag:s2] =	dma.local @!p0 [hbm:s0], s1  }
0xed: {  	s0 =	simm.s32 @!p0 $0x4  }
0xee: {  	_ =	swait.ge @!p0 [sflag:s0], s1  }
0xef: {  	s1 =	ssub.s32 @!p0 $0x0, s1;
	[sflag:s0] =	ssyncset.done @!p0 $0x0  }
0xf0: {  	[sflag:s0] =	ssyncadd.s32 @!p0 s1  }
0xf1: {  	[bflag:$0x3] =	sbarrier.arrive $0xFFFF  }
0xf2: {  	_ =	shalt  }

// kernel: sparse-core-data-format-call.cloned.1.call-start
scs
called_computation_lowered:
.L_overlay_start_0:
0x0: {  	s2 =	sld [smem:$0x3FD9]  }
0x1: {  	s3 =	sld [smem:$0x3FFE];
	_ =	sdelay $0x1  }
0x2: {  	s1 =	srdreg.scid  }
0x3: {  	s0 =	sand.u32 $0x1, s1  }
0x4: {  	s15 =	sshll.u32 s0, $0xA;
	s2 =	sadd.s32 s3, s2  }
0x5: {  	s2 =	sadd.s32 s2, s15  }
0x6: {  	[smem:$0x3FC5] =	sst s2  }
0x7: {  	_ = 	snop  }
0x8: {  	s2 =	sld [smem:$0x3FD0];
	_ =	sdelay $0x2  }
0x9: {  	s16 =	simm.s32 $0xA;
	s4 =	simm.s32 $0x10  }
0xa: {  	[smem:s4], [sflag:s16] =	dma.local [hbm:s2], $0x1  }
0xb: {  	_ =	swait.eq [sflag:s16], $0x1  }
0xc: {  	[sflag:s16] =	ssyncset.done $0x0  }
0xd: {  	[sflag:s16] =	ssyncadd.s32 $0xFFFFFFFF  }
0xe: {  	s17 =	sld [smem:$0x10];
	(tm) =	ssettm $0x1  }
0xf: {  	s18 =	sld [smem:$0x3FFB];
	_ =	sdelay $0x3  }
0x10: {  	_ =	strace s18  }
0x11: {  	s3 =	sld [smem:$0x3FFC];
	_ =	sdelay $0x3  }
0x12: {  	_ =	strace s3  }
0x13: {  	s3 =	sld [smem:$0x3FFD];
	_ =	sdelay $0x3  }
0x14: {  	_ =	strace s3  }
0x15: {  	_ =	strace $0x8FFFFFFF  }
0x16: {  	s19 =	sld [smem:$0x3FDB];
	_ =	sdelay $0x1  }
0x17: {  	s20 =	simm.s32 $_scs_section_size  }
0x18: {  	s5 =	simm.s32 $_size__tile_overlayer_lowered;
	s6 =	simm.s32 $_tile_overlayer_lowered  }
0x19: {  	s23 =	simm.s32 $0x1BFF;
	s22 =	sshll.u32 s6, $0x1;
	s3 =	sadd.s32 s20, s19  }
0x1a: {  	s7 =	simm.s32 $0x0;
	s21 =	sshll.u32 s5, $0x1;
	s5 =	sadd.s32 s22, s3  }
0x1b: {  	[timem:s7], [sflag:s23] =	dma.local [hbm:s5], s21  }
0x1c: {  	_ =	swait.ge [sflag:s23], s21  }
0x1d: {  	s4 =	ssub.s32 $0x0, s21;
	[sflag:s23] =	ssyncset.done $0x0  }
0x1e: {  	[sflag:s23] =	ssyncadd.s32 s4;
	_ =	sdelay $0x1  }
0x1f: {  	s24 =	simm.s32 $0x1B8B  }
0x20: {  	_ =	swait.ge [sflag:s24], $0x1  }
0x21: {  	[sflag:s24] =	ssyncset.done $0x0  }
0x22: {  	s26 =	simm.s32 $0x1B8E;
	s25 =	sld [smem:$0x3FFE];
	[sflag:s24] =	ssyncadd.s32 $0xFFFFFFFF  }
0x23: {  	s27 =	simm.s32 $execute0_lowered;
	[smem:$0x3FD2] =	sst s26  }
0x24: {  	s5 =	sshll.u32 s27, $0x1;
	_ =	strace $0x80000049;
	[dreg:$0x1] =	wrdreg $0xFFFFFFFF  }
0x25: {  	s28 =	simm.s32 $_size_execute0_lowered;
	s3 =	sadd.s32 s3, s5;
	[dreg:$0x0] =	wrdreg $0x0  }
0x26: {  	s5 =	sshll.u32 s28, $0x1;
	[dreg:$0x2] =	wrdreg s3  }
0x27: {  	[dreg:$0x3] =	wrdreg s5  }
0x28: {  	[dreg:$0x4] =	wrdreg $0xC0  }
0x29: {  	_ =	task [dreg:s7], $0x5FFFF  }
0x2a: {  	[dreg:$0x1] =	wrdreg $0xFFFFFFFF  }
0x2b: {  	[dreg:$0x0] =	wrdreg $0x60  }
0x2c: {  	[dreg:$0x2] =	wrdreg s25  }
0x2d: {  	[dreg:$0x3] =	wrdreg s17  }
0x2e: {  	[dreg:$0x4] =	wrdreg $0x9  }
0x2f: {  	_ =	task.clear_ibuf [dreg:s7], $0x5FFFF;
	_ =	strace $0x90000049  }
0x30: {  	s29 =	simm.s32 $0x9;
	_ =	strace $0x8000004B  }
0x31: {  	_ =	swait.ge [sflag:s29], $0x1  }
0x32: {  	[sflag:s29] =	ssyncadd.s32 $0xFFFFFFFF  }
0x33: {  	_ =	strace $0x9000004B  }
0x34: {  	_ =	sfence  }
0x35: {  	s30 =	sld [smem:$0x0];
	_ =	sdelay $0x2  }
0x36: {  	s31 =	sshll.u32 s1, $0xD;
	s1 =	sshrl.u32 s1, $0x2  }
0x37: {  	s3 =	sand.u32 $0x4000, s31;
	s1 =	sadd.s32 s1, s30  }
0x38: {  	s0 =	sor.u32 s3, s0;
	s1 =	sshll.u32 s1, $0x11  }
0x39: {  	s0 =	sor.u32 s1, s0  }
0x3a: {  	s0 =	sadd.s32 $0x8F2B, s0  }
0x3b: {  	[sflag:s0] =	ssyncadd.remote.s32 $0x1  }
0x3c: {  	_ =	sfence.sel $0xFFFF  }
0x3d: {  	[dreg:$0x0] =	wrdreg $0xFFFFFFFF;
	(pc) =	sbr.abs _section_cstart, $3  }
0x3e: {  	[dreg:$0x1] =	wrdreg $0xFFFFFFFF  }
0x3f: {  	_ =	task.clear_ibuf [dreg:s7], $0x2FFFF;
	_ =	strace $0x9FFFFFFF  }
0x40: {  	(tm) =	ssettm $0x7FFFFFFF  }
0x41: {  	_ =	shalt  }
tec
execute0_lowered:
.L_overlay_start_1:
0x0: {  	(tag) =	ssettag $0x1  }
0x1: {  	s4 =	rddreg [dreg:$0x0]  }
0x2: {  	s2 =	rddreg [dreg:$0x1];
	s1 =	stileid.u32  }
0x3: {  	s3 =	srdreg.scid;
	s0 =	rddreg [dreg:$0x2];
	_ =	strace $0x8000004A  }
0x4: {  	s10 =	simm.s32 $0x2;
	s14 =	simm.s32 $0x0;
	s16 =	simm.s32 $0x0  }
0x5: {  	s12 =	simm.s32 $0x0;
	s15 =	simm.s32 $0x0;
	s3 =	sshll.u32 s3, $0x4  }
0x6: {  	s5 =	sshll.u32 s1, $0x7;
	s4 =	sadd.s32 $0x24000, s4;
	s6 =	sand.u32 $0x10, s3  }
0x7: {  	s3 =	sand.u32 $0x180, s5;
	s5 =	simm.s32 $0x1;
	s8 =	sor.u32 s1, s6  }
0x8: {  	s31 =	ssub.s32 $0xC800, s3;
	[sflag:s5] =	ssyncpa.u1 $0x0;
	s13 =	smov.u32 s3  }
.Ltmp0:
0x9: {  	s7 =	sshll.u32 s8, $0x5;
	s9 =	sand.u32 $0x180, s31;
	(pc) =	sbr.rel .LBB1_1-.Ltmp0, $4  }
0xa: {  	s11 =	sshrl.u32 s31, $0x9;
	p0 =	sne.s32 s9, $0x0;
	s9 =	simm.s32 $0x1  }
0xb: {  	[sflag:s10] =	ssyncpa.u1 $0x0;
	s8 =	sshll.u32 s8, $0x8;
	s9 =	simm.s32 @!p0 $0x0  }
0xc: {  	s10 =	simm.s32 $0x64000;
	s6 =	sand.u32 $0x380, s7;
	s7 =	sadd.s32 s9, s11  }
0xd: {  	p0 =	por $0x0, $0x0;
	s11 =	simm.s32 $0x0;
	s9 =	sadd.s32 $0x1, s7  }
.LBB1_4:
0xe: {  	s22 =	sshrl.u32 s11, $0x3  }
0xf: {  	s23 =	sshll.u32 s12, $0x3;
	s24 =	sand.u32 $0x7F, s12;
	s22 =	smul.u32 $0x64000, s22  }
0x10: {  	v5 =	vld [tilespmem:s18+$0xFFFFFFD0];
	s21 =	sshra.s32 s21, $0x2;
	s25 =	sshra.s32 s12, $0x1F;
	s23 =	sand.u32 $0xFFFFFC00, s23  }
0x11: {  	[tilespmem:s20+$0x2040 ss:$0x81] =	vst.msk $0xffff, v4;
	v58 =	vld [tilespmem:s18+$0xFFFFFFE0];
	p1 =	sgt.s32 s12, $0xC780;
	s25 =	sand.u32 s25, s12;
	s22 =	sadd.s32 s23, s22  }
0x12: {  	[tilespmem:s20+$0x2850 ss:$0x81] =	vst.msk $0xffff, v3;
	v59 =	vld [tilespmem:s18+$0xFFFFFFF0];
	s23 =	sor.u32 s24, s22;
	s22 =	smulhi.u32 $0x51EB851F, s22;
	s24 =	smov.u32 s12  }
0x13: {  	[tilespmem:s20+$0x3060 ss:$0x81] =	vst.msk $0xffff, v2;
	v60 =	vld [tilespmem:s18+$0x0];
	s19 =	sadd.s32 s21, s19;
	s26 =	smulhi.u32 $0x51EB851F, s23;
	s24 =	simm.s32 @!p1 $0xC780  }
0x14: {  	[tilespmem:s20+$0x0 ss:$0x81] =	vst.msk $0xffff, v0;
	v61 =	vld [tilespmem:s18+$0x10];
	p1 =	sgt.s32 s11, $0x368;
	s28 =	sshrl.u32 s22, $0xE;
	s29 =	ssub.s32 s24, s25  }
0x15: {  	[tilespmem:s19+$0x3870 ss:$0x81] =	vst.msk $0xffff, v1;
	s30 =	sshrl.u32 s26, $0xE;
	s31 =	smulhi.u32 $0x418938, s28;
	s25 =	sadd.s32 $0xFFFF3880, s29  }
0x16: {  	v62 =	vld [tilespmem:s18+$0x20];
	[tilespmem:s19+$0x810 ss:$0x81] =	vst.msk $0xffff, v5;
	s22 =	smul.u32 $0xC800, s30;
	p2 =	sgt.s32 s25, $0x7F;
	s25 =	smov.u32 s11  }
0x17: {  	v63 =	vld [tilespmem:s18+$0xFFFFFFC0];
	[tilespmem:s19+$0x1020 ss:$0x81] =	vst.msk $0xffff, v58;
	s21 =	ssub.s32 $0xC800, s29;
	s25 =	simm.s32 @!p1 $0x368;
	s26 =	smul.u32 $0x3E8, s31  }
0x18: {  	[tilespmem:s19+$0x1830 ss:$0x81] =	vst.msk $0xffff, v59;
	s21 =	simm.s32 @p2 $0x0;
	s27 =	ssub.s32 $0x3E8, s25  }
0x19: {  	[tilespmem:s19+$0x2040 ss:$0x81] =	vst.msk $0xffff, v60;
	s22 =	ssub.s32 s23, s22;
	s18 =	ssub.s32 s28, s26;
	s28 =	smul.u32 s27, s21  }
0x1a: {  	[tilespmem:s19+$0x2850 ss:$0x81] =	vst.msk $0xffff, v61;
	s29 =	sshrl.u32 s22, $0x3;
	s22 =	sand.u32 $0x7, s22;
	s18 =	smul.u32 $0x1900, s18  }
0x1b: {  	[tilespmem:s19+$0x3060 ss:$0x81] =	vst.msk $0xffff, v62;
	s21 =	sadd.s32 s2, s29;
	s22 =	sshll.u32 s22, $0x12  }
0x1c: {  	[tilespmem:s19+$0x0 ss:$0x81] =	vst.msk $0xffff, v63;
	s30 =	sand.u32 $0x3FFFFFF8, s28;
	s31 =	sor.u32 $0x400, s22;
	s18 =	sadd.s32 s18, s21  }
0x1d: {  	[hbm4b:s18+s31] =	stream.strided.scatter [tilespmem:s17], [sflag:$0x2], s30, s10, s31, $0x20;
	[tilespmem:$0x10100] =	vst v63  }
.LBB1_5:
0x1e: {  	p1 =	slt.u32 s15, $0x2  }
0x1f: {  	p2 =	sgt.s32 @!p1 s16, $0xC780  }
0x20: {  	s17 =	smov.u32 s16;
	s18 =	sshra.s32 @!p1 s16, $0x1F;
	p2 =	por !p2, p1  }
0x21: {  	s16 =	sand.u32 @!p1 s18, s16;
	s17 =	simm.s32 @p2 $0xC780  }
0x22: {  	s16 =	ssub.s32 @!p1 s17, s16  }
0x23: {  	p2 =	sgt.s32 @!p1 s14, $0x368;
	s17 =	sadd.s32 @!p1 $0xFFFF3880, s16  }
0x24: {  	s18 =	sadd.s32 $0x200, s13;
	p2 =	por !p2, p1;
	p3 =	sgt.s32 @!p1 s17, $0x7F  }
0x25: {  	s14 =	simm.s32 @p2 $0x368;
	s16 =	ssub.s32 @!p1 $0xC800, s16;
	p2 =	por !p3, p1  }
0x26: {  	s14 =	ssub.s32 @!p1 $0x3E8, s14;
	s16 =	simm.s32 @!p2 $0x0;
	p2 =	sgt.s32 s18, $0xC7FF  }
0x27: {  	s14 =	smul.u32 @!p1 s14, s16;
	s18 =	smov.u32 @p2 s3;
	p2 =	sne.s32 s15, s9  }
.Ltmp1:
0x28: {  	s20 =	sadd.s32 $0x1, s15;
	p0 =	por !p0, !p0;
	(pc) =	sbr.rel @!p2 .LBB1_6-.Ltmp1, $4  }
0x29: {  	s17 =	simm.s32 @!p1 $0x2;
	s16 =	smov.u32 s12;
	s14 =	sand.u32 @!p1 $0x3FFFFFFF, s14  }
0x2a: {  	s12 =	smov.u32 s13;
	s15 =	smov.u32 s20;
	_ =	swait.ge @!p1 [sflag:s17], s14  }
0x2b: {  	s13 =	smov.u32 s18;
	s19 =	ssub.s32 @!p1 $0x0, s14;
	[sflag:s17] =	ssyncset.done @!p1 $0x0  }
0x2c: {  	s14 =	smov.u32 s11;
	s11 =	smov.u32 s6;
	[sflag:s17] =	ssyncadd.s32 @!p1 s19  }
.LBB1_1:
0x2d: {  	p1 =	sge.u32 s15, s7  }
0x2e: {  	s17 =	sshll.u32 @!p1 s13, $0xA  }
0x2f: {  	s17 =	sand.u32 @!p1 $0xFFFFE000, s17  }
0x30: {  	s17 =	sor.u32 @!p1 s8, s17  }
0x31: {  	s17 =	sshrl.u32 @!p1 s17, $0xA  }
0x32: {  	s18 =	smulhi.u32 @!p1 $0x28F5C3, s17;
	_ =	sdelay $0x1  }
0x33: {  	s18 =	sshrl.u32 @!p1 s18, $0x5  }
0x34: {  	s18 =	smul.u32 @!p1 $0xC800, s18  }
0x35: {  	s31 =	sadd.s32 $0xFFFFFFFF, s15;
	s19 =	sxor.u32 @!p1 $0xFFFFFFFF, s15;
	s20 =	sshll.u32 @!p1 s13, $0x4  }
0x36: {  	s19 =	sshll.u32 @!p1 s19, $0xE;
	s17 =	ssub.s32 @!p1 s17, s18;
	s18 =	sand.u32 @!p1 $0x70, s20  }
0x37: {  	s19 =	sand.u32 @!p1 $0x4000, s19;
	s17 =	sshll.u32 @!p1 s17, $0x7;
	s18 =	sadd.s32 @!p1 s4, s18  }
0x38: {  	s20 =	simm.s32 @!p1 $0x2000;
	s17 =	sadd.s32 @!p1 s17, s18;
	s18 =	simm.s32 @!p1 $0x400  }
0x39: {  	[tilespmem:s19], [sflag:$0x1] =	stream.strided.gather @!p1 [hbm4b:s17+s18], $0x4000, s20, s18, $0x38;
	[tilespmem:$0x10100] =	vst v63  }
0x3a: {  	p1 =	sge.u32 s31, s7  }
.Ltmp2:
0x3b: {  	_ = 	snop;
	(pc) =	sbr.rel @p1 .LBB1_5-.Ltmp2, $1  }
0x3c: {  	_ =	sdelay $0x3  }
0x3d: {  	s17 =	simm.s32 $0x1  }
0x3e: {  	_ =	swait.ge [sflag:s5], $0x4000;
	s17 =	simm.s32 @!p0 $0x0  }
0x3f: {  	[sflag:s5] =	ssyncset.done $0x0;
	s18 =	sshll.u32 s17, $0xE  }
0x40: {  	[sflag:s5] =	ssyncadd.s32 $0xFFFFC000;
	s18 =	sor.u32 $0x40, s18  }
0x41: {  	s17 =	smul.u32 $0x10200, s17;
	v0 =	vld [tilespmem:s18+$0x30]  }
0x42: {  	v1 =	vld [tilespmem:s18+$0xFFFFFFD0]  }
0x43: {  	s17 =	sshrl.u32 s17, $0x2;
	v5 =	vld [tilespmem:s18+$0xFFFFFFE0]  }
0x44: {  	v6 =	vld [tilespmem:s18+$0xFFFFFFF0];
	s19 =	sor.u32 $0x8000, s17  }
0x45: {  	s31 =	sand.u32 $0x1, s15;
	v4 =	vld [tilespmem:s18+$0x0];
	s20 =	sadd.s32 $0x0, s19  }
0x46: {  	v3 =	vld [tilespmem:s18+$0x10];
	s17 =	smul.u32 $0x10200, s31;
	[tilespmem:s20+$0x3870 ss:$0x81] =	vst.msk $0xffff, v0  }
0x47: {  	v2 =	vld [tilespmem:s18+$0x20];
	[tilespmem:s20+$0x810 ss:$0x81] =	vst.msk $0xffff, v1  }
0x48: {  	s17 =	sshrl.u32 s17, $0x2;
	v0 =	vld [tilespmem:s18+$0xFFFFFFC0];
	[tilespmem:s20+$0x1020 ss:$0x81] =	vst.msk $0xffff, v5;
	s18 =	sadd.s32 $0x80, s18  }
0x49: {  	s21 =	simm.s32 $0x4;
	s22 =	simm.s32 $0x8;
	s17 =	sor.u32 $0x8000, s17;
	[tilespmem:s20+$0x1830 ss:$0x81] =	vst.msk $0xffff, v6;
	v1 =	vld [tilespmem:s18+$0x30]  }
.LBB1_3:
0x4a: {  	p1 =	sne.s32 s22, $0x1FC;
	v5 =	vld [tilespmem:s18+$0xFFFFFFD0];
	[tilespmem:s20+$0x2040 ss:$0x81] =	vst.msk $0xffff, v4  }
0x4b: {  	v6 =	vld [tilespmem:s18+$0xFFFFFFE0];
	[tilespmem:s20+$0x2850 ss:$0x81] =	vst.msk $0xffff, v3  }
0x4c: {  	s23 =	sshra.s32 s21, $0x2;
	s21 =	smov.u32 s22;
	v7 =	vld [tilespmem:s18+$0xFFFFFFF0];
	[tilespmem:s20+$0x3060 ss:$0x81] =	vst.msk $0xffff, v2  }
.Ltmp3:
0x4d: {  	v4 =	vld [tilespmem:s18+$0x0];
	[tilespmem:s20+$0x0 ss:$0x81] =	vst.msk $0xffff, v0;
	s20 =	sadd.s32 s23, s19;
	(pc) =	sbr.rel @p1 .LBB1_3-.Ltmp3, $4  }
0x4e: {  	v3 =	vld [tilespmem:s18+$0x10];
	[tilespmem:s20+$0x3870 ss:$0x81] =	vst.msk $0xffff, v1  }
0x4f: {  	[tilespmem:s20+$0x810 ss:$0x81] =	vst.msk $0xffff, v5;
	v2 =	vld [tilespmem:s18+$0x20]  }
0x50: {  	v0 =	vld [tilespmem:s18+$0xFFFFFFC0];
	[tilespmem:s20+$0x1020 ss:$0x81] =	vst.msk $0xffff, v6;
	s18 =	sadd.s32 $0x80, s18  }
0x51: {  	s22 =	sadd.s32 $0x4, s22;
	v1 =	vld [tilespmem:s18+$0x30];
	[tilespmem:s20+$0x1830 ss:$0x81] =	vst.msk $0xffff, v7  }
.Ltmp4:
0x52: {  	_ = 	snop;
	(pc) =	sbr.rel .LBB1_4-.Ltmp4, $1  }
0x53: {  	_ =	sdelay $0x3  }
.LBB1_6:
0x54: {  	_ =	sfence.sel $0x180000  }
0x55: {  	s2 =	simm.s32 $0x1;
	[bflag:$0x0] =	sbarrier.arrive $0xFFFF  }
0x56: {  	s31 =	simm.s32 $0x2;
	[sflag:s2] =	ssyncpa.u1 $0x1  }
0x57: {  	[sflag:s31] =	ssyncpa.u1 $0x1  }
0x58: {  	p0 =	sne.s32 s1, $0x0;
	_ =	strace $0x9000004A  }
0x59: {  	s0 =	sadd.s32 @!p0 $0x100000, s0;
	[bflag:$0x2] =	sbarrier.arrive $0xFFFF  }
0x5a: {  	[sflag:s0] =	ssyncadd.tile.s32 @!p0 $0x1;
	_ =	shalt  }
.Lfunc_end1:
_tile_overlayer_lowered:
.L_overlay_start_2:
0x5b: {  	(tag) =	ssettag $0x2  }
0x5c: {  	s0 =	rddreg [dreg:$0x0];
	s2 =	stileid.u32  }
0x5d: {  	s1 =	rddreg [dreg:$0x1];
	p0 =	sne.s32 s2, $0x0  }
0x5e: {  	s3 =	rddreg [dreg:$0x2];
	[bflag:$0x3] =	sbarrier.arrive $0xFFFF;
	s2 =	simm.s32 @!p0 $0x1C01  }
0x5f: {  	[timem:s3], [sflag:s2] =	dma.local @!p0 [hbm:s0], s1  }
0x60: {  	s0 =	simm.s32 @!p0 $0x1  }
0x61: {  	_ =	swait.ge @!p0 [sflag:s0], s1  }
0x62: {  	s1 =	ssub.s32 @!p0 $0x0, s1;
	[sflag:s0] =	ssyncset.done @!p0 $0x0  }
0x63: {  	[sflag:s0] =	ssyncadd.s32 @!p0 s1  }
0x64: {  	[bflag:$0x3] =	sbarrier.arrive $0xFFFF  }
0x65: {  	_ =	shalt  }

</sc_bundles>
